<compile_context>
chip_gen: v7x
topology: tpu7x:2x2x1
jax: 0.10.2.dev20260603
libtpu: 0.0.44.dev20260713+nightly
codegen_flags: <defaults>
</compile_context>

<pallas_src>
import functools

import jax
import jax.numpy as jnp
from jax import lax
from jax.experimental import pallas as pl
from jax.experimental.pallas import tpu as pltpu
from jax.experimental.pallas import tpu_sc as plsc


def _idx_body(z_ref, win_ref, bin_ref, pw_ref, idx_ref):
    h = jnp.dot(z_ref[...], win_ref[...], preferred_element_type=jnp.float32)
    h = h + bin_ref[...]
    bits = jnp.where(h > 0, pw_ref[...], 0)
    idx_ref[...] = jnp.sum(bits, axis=1, keepdims=True)


def _table_body(cb_ref, wout_ref, bout_ref, tab_ref):
    tab_ref[...] = (
        jnp.dot(cb_ref[...], wout_ref[...], preferred_element_type=jnp.float32)
        + bout_ref[...]
    )


def _make_gather(T, D, NC, NS, CH):
    NW = NC * NS
    b_per_w = T // NW
    n_chunks = b_per_w // CH
    mesh = plsc.VectorSubcoreMesh(core_axis_name="c", subcore_axis_name="s")

    @functools.partial(
        pl.kernel,
        mesh=mesh,
        out_type=jax.ShapeDtypeStruct((T, D), jnp.float32),
        scratch_types=[
            pltpu.VMEM((b_per_w,), jnp.int32),
            pltpu.VMEM((CH, D), jnp.float32),
            pltpu.VMEM((CH, D), jnp.float32),
            pltpu.SemaphoreType.DMA,
            pltpu.SemaphoreType.DMA,
        ],
    )
    def gather(table_hbm, idx_hbm, out_hbm, idx_v, rows0, rows1, gsem, wsem):
        bufs = (rows0, rows1)
        wid = lax.axis_index("s") * NC + lax.axis_index("c")
        base = wid * b_per_w
        pltpu.sync_copy(idx_hbm.at[pl.ds(base, b_per_w)], idx_v)

        def gcopy(c):
            return pltpu.make_async_copy(
                table_hbm.at[idx_v.at[pl.ds(c * CH, CH)]], bufs[c % 2], gsem
            )

        def wcopy(c):
            return pltpu.make_async_copy(
                bufs[c % 2], out_hbm.at[pl.ds(base + c * CH, CH)], wsem
            )

        gcopy(0).start()
        for c in range(n_chunks):
            gcopy(c).wait()
            wcopy(c).start()
            if c >= 1:
                wcopy(c - 1).wait()
            if c + 1 < n_chunks:
                gcopy(c + 1).start()
        wcopy(n_chunks - 1).wait()

    return gather


def kernel(z, W_in, b_in, W_out, b_out, codebook):
    B, N, D = z.shape
    C = W_in.shape[1]
    K = codebook.shape[0]
    T = B * N
    TR = 4096
    zf = z.reshape(T, D)
    pw = (2 ** jnp.arange(C - 1, -1, -1, dtype=jnp.int32)).reshape(1, C)

    idx = pl.pallas_call(
        _idx_body,
        grid=(T // TR,),
        in_specs=[
            pl.BlockSpec((TR, D), lambda i: (i, 0)),
            pl.BlockSpec((D, C), lambda i: (0, 0)),
            pl.BlockSpec((1, C), lambda i: (0, 0)),
            pl.BlockSpec((1, C), lambda i: (0, 0)),
        ],
        out_specs=pl.BlockSpec((TR, 1), lambda i: (i, 0)),
        out_shape=jax.ShapeDtypeStruct((T, 1), jnp.int32),
    )(zf, W_in, b_in.reshape(1, C), pw).reshape(T)

    table = pl.pallas_call(
        _table_body,
        in_specs=[
            pl.BlockSpec((K, C), lambda: (0, 0)),
            pl.BlockSpec((C, D), lambda: (0, 0)),
            pl.BlockSpec((1, D), lambda: (0, 0)),
        ],
        out_specs=pl.BlockSpec((K, D), lambda: (0, 0)),
        out_shape=jax.ShapeDtypeStruct((K, D), jnp.float32),
    )(codebook, W_out, b_out.reshape(1, D))

    info = plsc.get_sparse_core_info()
    NC, NS = info.num_cores, info.num_subcores
    out = _make_gather(T, D, NC, NS, CH=64)(table, idx)
    return out.reshape(B, N, D)

# --- scband reference (transcript-rebuilt; emitter-appended) ---
"""Pipeline reference for scband-bent-prototype-quantizer-34359739040 (READ-ONLY COPY).

The authoritative reference and input builder live on the scoring server;
editing this copy changes nothing except your own understanding.
"""

import jax, jax.numpy as jnp
import numpy as np


def _bent_codebook():
    # Replicates BentFunctions._build + support_vectors + prototype_codebook(k=64).
    pairs_list = [[(0, 1), (2, 3), (4, 5)], [(0, 2), (1, 3), (4, 5)], [(0, 3), (1, 2), (4, 5)],
                  [(0, 4), (1, 2), (3, 5)], [(0, 4), (1, 3), (2, 5)], [(0, 5), (1, 2), (3, 4)],
                  [(0, 5), (1, 3), (2, 4)], [(0, 1), (2, 4), (3, 5)], [(0, 1), (2, 5), (3, 4)],
                  [(0, 2), (1, 4), (3, 5)]]
    tts = []
    for pairs in pairs_list:
        tt = np.zeros(64, dtype=np.float32)
        for x in range(64):
            val = 0
            for i, j in pairs:
                val ^= ((x >> i) & 1) & ((x >> j) & 1)
            tt[x] = float(val)
        tts.append(tt)
        tts.append(1.0 - tt)  # complement
    tts = np.stack(tts[:20], axis=0)
    all_verts = np.array([[1 - 2 * ((x >> i) & 1) for i in range(6)] for x in range(64)],
                         dtype=np.float32)
    pool = np.concatenate([all_verts[tts[i] > 0.5] for i in range(20)], axis=0)
    unique = np.unique(pool, axis=0)
    # k=64 >= len(unique) -> prototype_codebook returns the full unique set (all 64 Q6 vertices)
    return unique.astype(np.float32)


def setup_inputs(seed: int = 0) -> dict:
    key = jax.random.key(seed)
    ks = jax.random.split(key, 4)
    B, N, D = 32, 1024, 768
    z = jax.random.normal(ks[0], (B, N, D), dtype=jnp.float32)
    # learned projections into / out of the Q6 code space (code_dim = 6)
    W_in = jax.random.normal(ks[1], (D, 6), dtype=jnp.float32) * (1.0 / np.sqrt(D))
    b_in = jnp.zeros((6,), dtype=jnp.float32)
    W_out = jax.random.normal(ks[2], (6, D), dtype=jnp.float32) * (1.0 / np.sqrt(6.0))
    b_out = jnp.zeros((D,), dtype=jnp.float32)
    codebook = jnp.asarray(_bent_codebook())  # (64, 6) in {-1,+1}^6, fixed buffer
    return {"z": z, "W_in": W_in, "b_in": b_in, "W_out": W_out, "b_out": b_out,
            "codebook": codebook}


def reference(z, W_in, b_in, W_out, b_out, codebook):
    # project into Q6 code space
    h = z @ W_in + b_in                       # (B, N, 6)
    n = codebook.shape[-1]
    # Theorem 3: d_H(a,b) = (n - <a,b>) / 2, computed via one matmul
    dot = h @ codebook.T                      # (B, N, K)
    d = (n - dot) / 2.0
    idx = jnp.argmin(d, axis=-1)              # (B, N) nearest bent prototype
    q = jnp.take(codebook, idx, axis=0)       # (B, N, 6) gather
    # straight-through estimator
    q_st = h + jax.lax.stop_gradient(q - h)
    out = q_st @ W_out + b_out                # (B, N, D)
    return out

if __name__ == "__main__":
    import jax
    _d = setup_inputs()
    print(jax.jit(kernel)(*tuple(_d.values())))

</pallas_src>

<mosaic_0001>
#map = affine_map<(d0, d1) -> (0, 0)>
#map1 = affine_map<(d0, d1) -> (0)>
module attributes {stable_mosaic.version = 14 : i64} {
  func.func @gather(%arg0: i32, %arg1: i32, %arg2: memref<64x768xf32, #tpu.memory_space<hbm>>, %arg3: memref<32768xi32, #tpu.memory_space<hbm>>, %arg4: memref<32768x768xf32, #tpu.memory_space<hbm>>, %arg5: memref<1024xi32, #tpu.memory_space<vmem>>, %arg6: memref<64x768xf32, #tpu.memory_space<vmem>>, %arg7: memref<64x768xf32, #tpu.memory_space<vmem>>, %arg8: memref<!tpu.dma_semaphore, #tpu.memory_space<semaphore_mem>>, %arg9: memref<!tpu.dma_semaphore, #tpu.memory_space<semaphore_mem>>) attributes {dimension_semantics = [#tpu.dimension_semantics<core_parallel>, #tpu.dimension_semantics<subcore_parallel>], iteration_bounds = array<i64: 2, 16>, scalar_prefetch = 0 : i64, scratch_operands = 5 : i64, tpu.core_type = #tpu.core_type<sc_vector_subcore>, window_params = [{transform_indices = #map}, {transform_indices = #map1}, {transform_indices = #map}]} {
    %mul3A = arith.constant 2 : i32
    %mul3A_0 = arith.muli %arg1, %mul3A : i32
    %add3A = arith.addi %mul3A_0, %arg0 : i32
    %mul3A_1 = arith.constant 1024 : i32
    %mul3A_2 = arith.muli %add3A, %mul3A_1 : i32
    "tpu.region"() ({
      %run_scoped3A = tpu.sem_alloc : memref<!tpu.dma_semaphore, #tpu.memory_space<semaphore_mem>>
      %dma_start3A_353 = tpu.memref_slice %arg3[%mul3A_2] : memref<32768xi32, #tpu.memory_space<hbm>> -> memref<1024xi32, #tpu.memory_space<hbm>>
      %dma_start3A_354 = tpu.memref_slice %arg3[%mul3A_2] : memref<32768xi32, #tpu.memory_space<hbm>> -> memref<1024xi32, #tpu.memory_space<hbm>>
      tpu.enqueue_dma source(%dma_start3A_354 : memref<1024xi32, #tpu.memory_space<hbm>>) target(%arg5 : memref<1024xi32, #tpu.memory_space<vmem>>) target_semaphore(%run_scoped3A : memref<!tpu.dma_semaphore, #tpu.memory_space<semaphore_mem>>)
      %dma_wait3A_355 = tpu.memref_slice %arg3[%mul3A_2] : memref<32768xi32, #tpu.memory_space<hbm>> -> memref<1024xi32, #tpu.memory_space<hbm>>
      %dma_wait3A_356 = tpu.memref_slice %arg3[%mul3A_2] : memref<32768xi32, #tpu.memory_space<hbm>> -> memref<1024xi32, #tpu.memory_space<hbm>>
      tpu.wait_dma2 semaphore(%run_scoped3A : memref<!tpu.dma_semaphore, #tpu.memory_space<semaphore_mem>>) src(%dma_wait3A_356 : memref<1024xi32, #tpu.memory_space<hbm>>) dst(%arg5 : memref<1024xi32, #tpu.memory_space<vmem>>)
      tpu.yield
    }) : () -> ()
    %dma_start3A = arith.constant 0 : i32
    %dma_start3A_3 = tpu.memref_slice %arg5[%dma_start3A] : memref<1024xi32, #tpu.memory_space<vmem>> -> memref<64xi32, #tpu.memory_space<vmem>>
    %dma_start3A_4 = arith.constant 0 : i32
    %dma_start3A_5 = arith.constant 0 : i32
    %dma_start3A_6 = tpu.memref_slice %arg2[%dma_start3A_4, %dma_start3A_5] : memref<64x768xf32, #tpu.memory_space<hbm>> -> memref<64x768xf32, #tpu.memory_space<hbm>>
    tpu.enqueue_indirect_dma source(%dma_start3A_6 : memref<64x768xf32, #tpu.memory_space<hbm>>) target(%arg6 : memref<64x768xf32, #tpu.memory_space<vmem>>) offsets(%dma_start3A_3 : memref<64xi32, #tpu.memory_space<vmem>>) semaphore(%arg8 : memref<!tpu.dma_semaphore, #tpu.memory_space<semaphore_mem>>)
    %dma_wait3A = arith.constant 0 : i32
    %dma_wait3A_7 = tpu.memref_slice %arg5[%dma_wait3A] : memref<1024xi32, #tpu.memory_space<vmem>> -> memref<64xi32, #tpu.memory_space<vmem>>
    %dma_wait3A_8 = arith.constant 0 : i32
    %dma_wait3A_9 = arith.constant 0 : i32
    %dma_wait3A_10 = tpu.memref_slice %arg2[%dma_wait3A_8, %dma_wait3A_9] : memref<64x768xf32, #tpu.memory_space<hbm>> -> memref<64x768xf32, #tpu.memory_space<hbm>>
    tpu.wait_indirect_dma semaphore(%arg8 : memref<!tpu.dma_semaphore, #tpu.memory_space<semaphore_mem>>) src(%dma_wait3A_10 : memref<64x768xf32, #tpu.memory_space<hbm>>) dst(%arg6 : memref<64x768xf32, #tpu.memory_space<vmem>>)
    %add3A_11 = arith.constant 0 : i32
    %add3A_12 = arith.addi %mul3A_2, %add3A_11 : i32
    %dma_start3A_13 = arith.constant 0 : i32
    %dma_start3A_14 = tpu.memref_slice %arg4[%add3A_12, %dma_start3A_13] : memref<32768x768xf32, #tpu.memory_space<hbm>> -> memref<64x768xf32, #tpu.memory_space<hbm>>
    %dma_start3A_15 = arith.constant 0 : i32
    %dma_start3A_16 = tpu.memref_slice %arg4[%add3A_12, %dma_start3A_15] : memref<32768x768xf32, #tpu.memory_space<hbm>> -> memref<64x768xf32, #tpu.memory_space<hbm>>
    tpu.enqueue_dma source(%arg6 : memref<64x768xf32, #tpu.memory_space<vmem>>) target(%dma_start3A_16 : memref<64x768xf32, #tpu.memory_space<hbm>>) target_semaphore(%arg9 : memref<!tpu.dma_semaphore, #tpu.memory_space<semaphore_mem>>)
    %dma_start3A_17 = arith.constant 64 : i32
    %dma_start3A_18 = tpu.memref_slice %arg5[%dma_start3A_17] : memref<1024xi32, #tpu.memory_space<vmem>> -> memref<64xi32, #tpu.memory_space<vmem>>
    %dma_start3A_19 = arith.constant 0 : i32
    %dma_start3A_20 = arith.constant 0 : i32
    %dma_start3A_21 = tpu.memref_slice %arg2[%dma_start3A_19, %dma_start3A_20] : memref<64x768xf32, #tpu.memory_space<hbm>> -> memref<64x768xf32, #tpu.memory_space<hbm>>
    tpu.enqueue_indirect_dma source(%dma_start3A_21 : memref<64x768xf32, #tpu.memory_space<hbm>>) target(%arg7 : memref<64x768xf32, #tpu.memory_space<vmem>>) offsets(%dma_start3A_18 : memref<64xi32, #tpu.memory_space<vmem>>) semaphore(%arg8 : memref<!tpu.dma_semaphore, #tpu.memory_space<semaphore_mem>>)
    %dma_wait3A_22 = arith.constant 64 : i32
    %dma_wait3A_23 = tpu.memref_slice %arg5[%dma_wait3A_22] : memref<1024xi32, #tpu.memory_space<vmem>> -> memref<64xi32, #tpu.memory_space<vmem>>
    %dma_wait3A_24 = arith.constant 0 : i32
    %dma_wait3A_25 = arith.constant 0 : i32
    %dma_wait3A_26 = tpu.memref_slice %arg2[%dma_wait3A_24, %dma_wait3A_25] : memref<64x768xf32, #tpu.memory_space<hbm>> -> memref<64x768xf32, #tpu.memory_space<hbm>>
    tpu.wait_indirect_dma semaphore(%arg8 : memref<!tpu.dma_semaphore, #tpu.memory_space<semaphore_mem>>) src(%dma_wait3A_26 : memref<64x768xf32, #tpu.memory_space<hbm>>) dst(%arg7 : memref<64x768xf32, #tpu.memory_space<vmem>>)
    %add3A_27 = arith.constant 64 : i32
    %add3A_28 = arith.addi %mul3A_2, %add3A_27 : i32
    %dma_start3A_29 = arith.constant 0 : i32
    %dma_start3A_30 = tpu.memref_slice %arg4[%add3A_28, %dma_start3A_29] : memref<32768x768xf32, #tpu.memory_space<hbm>> -> memref<64x768xf32, #tpu.memory_space<hbm>>
    %dma_start3A_31 = arith.constant 0 : i32
    %dma_start3A_32 = tpu.memref_slice %arg4[%add3A_28, %dma_start3A_31] : memref<32768x768xf32, #tpu.memory_space<hbm>> -> memref<64x768xf32, #tpu.memory_space<hbm>>
    tpu.enqueue_dma source(%arg7 : memref<64x768xf32, #tpu.memory_space<vmem>>) target(%dma_start3A_32 : memref<64x768xf32, #tpu.memory_space<hbm>>) target_semaphore(%arg9 : memref<!tpu.dma_semaphore, #tpu.memory_space<semaphore_mem>>)
    %add3A_33 = arith.constant 0 : i32
    %add3A_34 = arith.addi %mul3A_2, %add3A_33 : i32
    %dma_wait3A_35 = arith.constant 0 : i32
    %dma_wait3A_36 = tpu.memref_slice %arg4[%add3A_34, %dma_wait3A_35] : memref<32768x768xf32, #tpu.memory_space<hbm>> -> memref<64x768xf32, #tpu.memory_space<hbm>>
    %dma_wait3A_37 = arith.constant 0 : i32
    %dma_wait3A_38 = tpu.memref_slice %arg4[%add3A_34, %dma_wait3A_37] : memref<32768x768xf32, #tpu.memory_space<hbm>> -> memref<64x768xf32, #tpu.memory_space<hbm>>
    tpu.wait_dma2 semaphore(%arg9 : memref<!tpu.dma_semaphore, #tpu.memory_space<semaphore_mem>>) src(%arg6 : memref<64x768xf32, #tpu.memory_space<vmem>>) dst(%dma_wait3A_38 : memref<64x768xf32, #tpu.memory_space<hbm>>)
    %dma_start3A_39 = arith.constant 128 : i32
    %dma_start3A_40 = tpu.memref_slice %arg5[%dma_start3A_39] : memref<1024xi32, #tpu.memory_space<vmem>> -> memref<64xi32, #tpu.memory_space<vmem>>
    %dma_start3A_41 = arith.constant 0 : i32
    %dma_start3A_42 = arith.constant 0 : i32
    %dma_start3A_43 = tpu.memref_slice %arg2[%dma_start3A_41, %dma_start3A_42] : memref<64x768xf32, #tpu.memory_space<hbm>> -> memref<64x768xf32, #tpu.memory_space<hbm>>
    tpu.enqueue_indirect_dma source(%dma_start3A_43 : memref<64x768xf32, #tpu.memory_space<hbm>>) target(%arg6 : memref<64x768xf32, #tpu.memory_space<vmem>>) offsets(%dma_start3A_40 : memref<64xi32, #tpu.memory_space<vmem>>) semaphore(%arg8 : memref<!tpu.dma_semaphore, #tpu.memory_space<semaphore_mem>>)
    %dma_wait3A_44 = arith.constant 128 : i32
    %dma_wait3A_45 = tpu.memref_slice %arg5[%dma_wait3A_44] : memref<1024xi32, #tpu.memory_space<vmem>> -> memref<64xi32, #tpu.memory_space<vmem>>
    %dma_wait3A_46 = arith.constant 0 : i32
    %dma_wait3A_47 = arith.constant 0 : i32
    %dma_wait3A_48 = tpu.memref_slice %arg2[%dma_wait3A_46, %dma_wait3A_47] : memref<64x768xf32, #tpu.memory_space<hbm>> -> memref<64x768xf32, #tpu.memory_space<hbm>>
    tpu.wait_indirect_dma semaphore(%arg8 : memref<!tpu.dma_semaphore, #tpu.memory_space<semaphore_mem>>) src(%dma_wait3A_48 : memref<64x768xf32, #tpu.memory_space<hbm>>) dst(%arg6 : memref<64x768xf32, #tpu.memory_space<vmem>>)
    %add3A_49 = arith.constant 128 : i32
    %add3A_50 = arith.addi %mul3A_2, %add3A_49 : i32
    %dma_start3A_51 = arith.constant 0 : i32
    %dma_start3A_52 = tpu.memref_slice %arg4[%add3A_50, %dma_start3A_51] : memref<32768x768xf32, #tpu.memory_space<hbm>> -> memref<64x768xf32, #tpu.memory_space<hbm>>
    %dma_start3A_53 = arith.constant 0 : i32
    %dma_start3A_54 = tpu.memref_slice %arg4[%add3A_50, %dma_start3A_53] : memref<32768x768xf32, #tpu.memory_space<hbm>> -> memref<64x768xf32, #tpu.memory_space<hbm>>
    tpu.enqueue_dma source(%arg6 : memref<64x768xf32, #tpu.memory_space<vmem>>) target(%dma_start3A_54 : memref<64x768xf32, #tpu.memory_space<hbm>>) target_semaphore(%arg9 : memref<!tpu.dma_semaphore, #tpu.memory_space<semaphore_mem>>)
    %add3A_55 = arith.constant 64 : i32
    %add3A_56 = arith.addi %mul3A_2, %add3A_55 : i32
    %dma_wait3A_57 = arith.constant 0 : i32
    %dma_wait3A_58 = tpu.memref_slice %arg4[%add3A_56, %dma_wait3A_57] : memref<32768x768xf32, #tpu.memory_space<hbm>> -> memref<64x768xf32, #tpu.memory_space<hbm>>
    %dma_wait3A_59 = arith.constant 0 : i32
    %dma_wait3A_60 = tpu.memref_slice %arg4[%add3A_56, %dma_wait3A_59] : memref<32768x768xf32, #tpu.memory_space<hbm>> -> memref<64x768xf32, #tpu.memory_space<hbm>>
    tpu.wait_dma2 semaphore(%arg9 : memref<!tpu.dma_semaphore, #tpu.memory_space<semaphore_mem>>) src(%arg7 : memref<64x768xf32, #tpu.memory_space<vmem>>) dst(%dma_wait3A_60 : memref<64x768xf32, #tpu.memory_space<hbm>>)
    %dma_start3A_61 = arith.constant 192 : i32
    %dma_start3A_62 = tpu.memref_slice %arg5[%dma_start3A_61] : memref<1024xi32, #tpu.memory_space<vmem>> -> memref<64xi32, #tpu.memory_space<vmem>>
    %dma_start3A_63 = arith.constant 0 : i32
    %dma_start3A_64 = arith.constant 0 : i32
    %dma_start3A_65 = tpu.memref_slice %arg2[%dma_start3A_63, %dma_start3A_64] : memref<64x768xf32, #tpu.memory_space<hbm>> -> memref<64x768xf32, #tpu.memory_space<hbm>>
    tpu.enqueue_indirect_dma source(%dma_start3A_65 : memref<64x768xf32, #tpu.memory_space<hbm>>) target(%arg7 : memref<64x768xf32, #tpu.memory_space<vmem>>) offsets(%dma_start3A_62 : memref<64xi32, #tpu.memory_space<vmem>>) semaphore(%arg8 : memref<!tpu.dma_semaphore, #tpu.memory_space<semaphore_mem>>)
    %dma_wait3A_66 = arith.constant 192 : i32
    %dma_wait3A_67 = tpu.memref_slice %arg5[%dma_wait3A_66] : memref<1024xi32, #tpu.memory_space<vmem>> -> memref<64xi32, #tpu.memory_space<vmem>>
    %dma_wait3A_68 = arith.constant 0 : i32
    %dma_wait3A_69 = arith.constant 0 : i32
    %dma_wait3A_70 = tpu.memref_slice %arg2[%dma_wait3A_68, %dma_wait3A_69] : memref<64x768xf32, #tpu.memory_space<hbm>> -> memref<64x768xf32, #tpu.memory_space<hbm>>
    tpu.wait_indirect_dma semaphore(%arg8 : memref<!tpu.dma_semaphore, #tpu.memory_space<semaphore_mem>>) src(%dma_wait3A_70 : memref<64x768xf32, #tpu.memory_space<hbm>>) dst(%arg7 : memref<64x768xf32, #tpu.memory_space<vmem>>)
    %add3A_71 = arith.constant 192 : i32
    %add3A_72 = arith.addi %mul3A_2, %add3A_71 : i32
    %dma_start3A_73 = arith.constant 0 : i32
    %dma_start3A_74 = tpu.memref_slice %arg4[%add3A_72, %dma_start3A_73] : memref<32768x768xf32, #tpu.memory_space<hbm>> -> memref<64x768xf32, #tpu.memory_space<hbm>>
    %dma_start3A_75 = arith.constant 0 : i32
    %dma_start3A_76 = tpu.memref_slice %arg4[%add3A_72, %dma_start3A_75] : memref<32768x768xf32, #tpu.memory_space<hbm>> -> memref<64x768xf32, #tpu.memory_space<hbm>>
    tpu.enqueue_dma source(%arg7 : memref<64x768xf32, #tpu.memory_space<vmem>>) target(%dma_start3A_76 : memref<64x768xf32, #tpu.memory_space<hbm>>) target_semaphore(%arg9 : memref<!tpu.dma_semaphore, #tpu.memory_space<semaphore_mem>>)
    %add3A_77 = arith.constant 128 : i32
    %add3A_78 = arith.addi %mul3A_2, %add3A_77 : i32
    %dma_wait3A_79 = arith.constant 0 : i32
    %dma_wait3A_80 = tpu.memref_slice %arg4[%add3A_78, %dma_wait3A_79] : memref<32768x768xf32, #tpu.memory_space<hbm>> -> memref<64x768xf32, #tpu.memory_space<hbm>>
    %dma_wait3A_81 = arith.constant 0 : i32
    %dma_wait3A_82 = tpu.memref_slice %arg4[%add3A_78, %dma_wait3A_81] : memref<32768x768xf32, #tpu.memory_space<hbm>> -> memref<64x768xf32, #tpu.memory_space<hbm>>
    tpu.wait_dma2 semaphore(%arg9 : memref<!tpu.dma_semaphore, #tpu.memory_space<semaphore_mem>>) src(%arg6 : memref<64x768xf32, #tpu.memory_space<vmem>>) dst(%dma_wait3A_82 : memref<64x768xf32, #tpu.memory_space<hbm>>)
    %dma_start3A_83 = arith.constant 256 : i32
    %dma_start3A_84 = tpu.memref_slice %arg5[%dma_start3A_83] : memref<1024xi32, #tpu.memory_space<vmem>> -> memref<64xi32, #tpu.memory_space<vmem>>
    %dma_start3A_85 = arith.constant 0 : i32
    %dma_start3A_86 = arith.constant 0 : i32
    %dma_start3A_87 = tpu.memref_slice %arg2[%dma_start3A_85, %dma_start3A_86] : memref<64x768xf32, #tpu.memory_space<hbm>> -> memref<64x768xf32, #tpu.memory_space<hbm>>
    tpu.enqueue_indirect_dma source(%dma_start3A_87 : memref<64x768xf32, #tpu.memory_space<hbm>>) target(%arg6 : memref<64x768xf32, #tpu.memory_space<vmem>>) offsets(%dma_start3A_84 : memref<64xi32, #tpu.memory_space<vmem>>) semaphore(%arg8 : memref<!tpu.dma_semaphore, #tpu.memory_space<semaphore_mem>>)
    %dma_wait3A_88 = arith.constant 256 : i32
    %dma_wait3A_89 = tpu.memref_slice %arg5[%dma_wait3A_88] : memref<1024xi32, #tpu.memory_space<vmem>> -> memref<64xi32, #tpu.memory_space<vmem>>
    %dma_wait3A_90 = arith.constant 0 : i32
    %dma_wait3A_91 = arith.constant 0 : i32
    %dma_wait3A_92 = tpu.memref_slice %arg2[%dma_wait3A_90, %dma_wait3A_91] : memref<64x768xf32, #tpu.memory_space<hbm>> -> memref<64x768xf32, #tpu.memory_space<hbm>>
    tpu.wait_indirect_dma semaphore(%arg8 : memref<!tpu.dma_semaphore, #tpu.memory_space<semaphore_mem>>) src(%dma_wait3A_92 : memref<64x768xf32, #tpu.memory_space<hbm>>) dst(%arg6 : memref<64x768xf32, #tpu.memory_space<vmem>>)
    %add3A_93 = arith.constant 256 : i32
    %add3A_94 = arith.addi %mul3A_2, %add3A_93 : i32
    %dma_start3A_95 = arith.constant 0 : i32
    %dma_start3A_96 = tpu.memref_slice %arg4[%add3A_94, %dma_start3A_95] : memref<32768x768xf32, #tpu.memory_space<hbm>> -> memref<64x768xf32, #tpu.memory_space<hbm>>
    %dma_start3A_97 = arith.constant 0 : i32
    %dma_start3A_98 = tpu.memref_slice %arg4[%add3A_94, %dma_start3A_97] : memref<32768x768xf32, #tpu.memory_space<hbm>> -> memref<64x768xf32, #tpu.memory_space<hbm>>
    tpu.enqueue_dma source(%arg6 : memref<64x768xf32, #tpu.memory_space<vmem>>) target(%dma_start3A_98 : memref<64x768xf32, #tpu.memory_space<hbm>>) target_semaphore(%arg9 : memref<!tpu.dma_semaphore, #tpu.memory_space<semaphore_mem>>)
    %add3A_99 = arith.constant 192 : i32
    %add3A_100 = arith.addi %mul3A_2, %add3A_99 : i32
    %dma_wait3A_101 = arith.constant 0 : i32
    %dma_wait3A_102 = tpu.memref_slice %arg4[%add3A_100, %dma_wait3A_101] : memref<32768x768xf32, #tpu.memory_space<hbm>> -> memref<64x768xf32, #tpu.memory_space<hbm>>
    %dma_wait3A_103 = arith.constant 0 : i32
    %dma_wait3A_104 = tpu.memref_slice %arg4[%add3A_100, %dma_wait3A_103] : memref<32768x768xf32, #tpu.memory_space<hbm>> -> memref<64x768xf32, #tpu.memory_space<hbm>>
    tpu.wait_dma2 semaphore(%arg9 : memref<!tpu.dma_semaphore, #tpu.memory_space<semaphore_mem>>) src(%arg7 : memref<64x768xf32, #tpu.memory_space<vmem>>) dst(%dma_wait3A_104 : memref<64x768xf32, #tpu.memory_space<hbm>>)
    %dma_start3A_105 = arith.constant 320 : i32
    %dma_start3A_106 = tpu.memref_slice %arg5[%dma_start3A_105] : memref<1024xi32, #tpu.memory_space<vmem>> -> memref<64xi32, #tpu.memory_space<vmem>>
    %dma_start3A_107 = arith.constant 0 : i32
    %dma_start3A_108 = arith.constant 0 : i32
    %dma_start3A_109 = tpu.memref_slice %arg2[%dma_start3A_107, %dma_start3A_108] : memref<64x768xf32, #tpu.memory_space<hbm>> -> memref<64x768xf32, #tpu.memory_space<hbm>>
    tpu.enqueue_indirect_dma source(%dma_start3A_109 : memref<64x768xf32, #tpu.memory_space<hbm>>) target(%arg7 : memref<64x768xf32, #tpu.memory_space<vmem>>) offsets(%dma_start3A_106 : memref<64xi32, #tpu.memory_space<vmem>>) semaphore(%arg8 : memref<!tpu.dma_semaphore, #tpu.memory_space<semaphore_mem>>)
    %dma_wait3A_110 = arith.constant 320 : i32
    %dma_wait3A_111 = tpu.memref_slice %arg5[%dma_wait3A_110] : memref<1024xi32, #tpu.memory_space<vmem>> -> memref<64xi32, #tpu.memory_space<vmem>>
    %dma_wait3A_112 = arith.constant 0 : i32
    %dma_wait3A_113 = arith.constant 0 : i32
    %dma_wait3A_114 = tpu.memref_slice %arg2[%dma_wait3A_112, %dma_wait3A_113] : memref<64x768xf32, #tpu.memory_space<hbm>> -> memref<64x768xf32, #tpu.memory_space<hbm>>
    tpu.wait_indirect_dma semaphore(%arg8 : memref<!tpu.dma_semaphore, #tpu.memory_space<semaphore_mem>>) src(%dma_wait3A_114 : memref<64x768xf32, #tpu.memory_space<hbm>>) dst(%arg7 : memref<64x768xf32, #tpu.memory_space<vmem>>)
    %add3A_115 = arith.constant 320 : i32
    %add3A_116 = arith.addi %mul3A_2, %add3A_115 : i32
    %dma_start3A_117 = arith.constant 0 : i32
    %dma_start3A_118 = tpu.memref_slice %arg4[%add3A_116, %dma_start3A_117] : memref<32768x768xf32, #tpu.memory_space<hbm>> -> memref<64x768xf32, #tpu.memory_space<hbm>>
    %dma_start3A_119 = arith.constant 0 : i32
    %dma_start3A_120 = tpu.memref_slice %arg4[%add3A_116, %dma_start3A_119] : memref<32768x768xf32, #tpu.memory_space<hbm>> -> memref<64x768xf32, #tpu.memory_space<hbm>>
    tpu.enqueue_dma source(%arg7 : memref<64x768xf32, #tpu.memory_space<vmem>>) target(%dma_start3A_120 : memref<64x768xf32, #tpu.memory_space<hbm>>) target_semaphore(%arg9 : memref<!tpu.dma_semaphore, #tpu.memory_space<semaphore_mem>>)
    %add3A_121 = arith.constant 256 : i32
    %add3A_122 = arith.addi %mul3A_2, %add3A_121 : i32
    %dma_wait3A_123 = arith.constant 0 : i32
    %dma_wait3A_124 = tpu.memref_slice %arg4[%add3A_122, %dma_wait3A_123] : memref<32768x768xf32, #tpu.memory_space<hbm>> -> memref<64x768xf32, #tpu.memory_space<hbm>>
    %dma_wait3A_125 = arith.constant 0 : i32
    %dma_wait3A_126 = tpu.memref_slice %arg4[%add3A_122, %dma_wait3A_125] : memref<32768x768xf32, #tpu.memory_space<hbm>> -> memref<64x768xf32, #tpu.memory_space<hbm>>
    tpu.wait_dma2 semaphore(%arg9 : memref<!tpu.dma_semaphore, #tpu.memory_space<semaphore_mem>>) src(%arg6 : memref<64x768xf32, #tpu.memory_space<vmem>>) dst(%dma_wait3A_126 : memref<64x768xf32, #tpu.memory_space<hbm>>)
    %dma_start3A_127 = arith.constant 384 : i32
    %dma_start3A_128 = tpu.memref_slice %arg5[%dma_start3A_127] : memref<1024xi32, #tpu.memory_space<vmem>> -> memref<64xi32, #tpu.memory_space<vmem>>
    %dma_start3A_129 = arith.constant 0 : i32
    %dma_start3A_130 = arith.constant 0 : i32
    %dma_start3A_131 = tpu.memref_slice %arg2[%dma_start3A_129, %dma_start3A_130] : memref<64x768xf32, #tpu.memory_space<hbm>> -> memref<64x768xf32, #tpu.memory_space<hbm>>
    tpu.enqueue_indirect_dma source(%dma_start3A_131 : memref<64x768xf32, #tpu.memory_space<hbm>>) target(%arg6 : memref<64x768xf32, #tpu.memory_space<vmem>>) offsets(%dma_start3A_128 : memref<64xi32, #tpu.memory_space<vmem>>) semaphore(%arg8 : memref<!tpu.dma_semaphore, #tpu.memory_space<semaphore_mem>>)
    %dma_wait3A_132 = arith.constant 384 : i32
    %dma_wait3A_133 = tpu.memref_slice %arg5[%dma_wait3A_132] : memref<1024xi32, #tpu.memory_space<vmem>> -> memref<64xi32, #tpu.memory_space<vmem>>
    %dma_wait3A_134 = arith.constant 0 : i32
    %dma_wait3A_135 = arith.constant 0 : i32
    %dma_wait3A_136 = tpu.memref_slice %arg2[%dma_wait3A_134, %dma_wait3A_135] : memref<64x768xf32, #tpu.memory_space<hbm>> -> memref<64x768xf32, #tpu.memory_space<hbm>>
    tpu.wait_indirect_dma semaphore(%arg8 : memref<!tpu.dma_semaphore, #tpu.memory_space<semaphore_mem>>) src(%dma_wait3A_136 : memref<64x768xf32, #tpu.memory_space<hbm>>) dst(%arg6 : memref<64x768xf32, #tpu.memory_space<vmem>>)
    %add3A_137 = arith.constant 384 : i32
    %add3A_138 = arith.addi %mul3A_2, %add3A_137 : i32
    %dma_start3A_139 = arith.constant 0 : i32
    %dma_start3A_140 = tpu.memref_slice %arg4[%add3A_138, %dma_start3A_139] : memref<32768x768xf32, #tpu.memory_space<hbm>> -> memref<64x768xf32, #tpu.memory_space<hbm>>
    %dma_start3A_141 = arith.constant 0 : i32
    %dma_start3A_142 = tpu.memref_slice %arg4[%add3A_138, %dma_start3A_141] : memref<32768x768xf32, #tpu.memory_space<hbm>> -> memref<64x768xf32, #tpu.memory_space<hbm>>
    tpu.enqueue_dma source(%arg6 : memref<64x768xf32, #tpu.memory_space<vmem>>) target(%dma_start3A_142 : memref<64x768xf32, #tpu.memory_space<hbm>>) target_semaphore(%arg9 : memref<!tpu.dma_semaphore, #tpu.memory_space<semaphore_mem>>)
    %add3A_143 = arith.constant 320 : i32
    %add3A_144 = arith.addi %mul3A_2, %add3A_143 : i32
    %dma_wait3A_145 = arith.constant 0 : i32
    %dma_wait3A_146 = tpu.memref_slice %arg4[%add3A_144, %dma_wait3A_145] : memref<32768x768xf32, #tpu.memory_space<hbm>> -> memref<64x768xf32, #tpu.memory_space<hbm>>
    %dma_wait3A_147 = arith.constant 0 : i32
    %dma_wait3A_148 = tpu.memref_slice %arg4[%add3A_144, %dma_wait3A_147] : memref<32768x768xf32, #tpu.memory_space<hbm>> -> memref<64x768xf32, #tpu.memory_space<hbm>>
    tpu.wait_dma2 semaphore(%arg9 : memref<!tpu.dma_semaphore, #tpu.memory_space<semaphore_mem>>) src(%arg7 : memref<64x768xf32, #tpu.memory_space<vmem>>) dst(%dma_wait3A_148 : memref<64x768xf32, #tpu.memory_space<hbm>>)
    %dma_start3A_149 = arith.constant 448 : i32
    %dma_start3A_150 = tpu.memref_slice %arg5[%dma_start3A_149] : memref<1024xi32, #tpu.memory_space<vmem>> -> memref<64xi32, #tpu.memory_space<vmem>>
    %dma_start3A_151 = arith.constant 0 : i32
    %dma_start3A_152 = arith.constant 0 : i32
    %dma_start3A_153 = tpu.memref_slice %arg2[%dma_start3A_151, %dma_start3A_152] : memref<64x768xf32, #tpu.memory_space<hbm>> -> memref<64x768xf32, #tpu.memory_space<hbm>>
    tpu.enqueue_indirect_dma source(%dma_start3A_153 : memref<64x768xf32, #tpu.memory_space<hbm>>) target(%arg7 : memref<64x768xf32, #tpu.memory_space<vmem>>) offsets(%dma_start3A_150 : memref<64xi32, #tpu.memory_space<vmem>>) semaphore(%arg8 : memref<!tpu.dma_semaphore, #tpu.memory_space<semaphore_mem>>)
    %dma_wait3A_154 = arith.constant 448 : i32
    %dma_wait3A_155 = tpu.memref_slice %arg5[%dma_wait3A_154] : memref<1024xi32, #tpu.memory_space<vmem>> -> memref<64xi32, #tpu.memory_space<vmem>>
    %dma_wait3A_156 = arith.constant 0 : i32
    %dma_wait3A_157 = arith.constant 0 : i32
    %dma_wait3A_158 = tpu.memref_slice %arg2[%dma_wait3A_156, %dma_wait3A_157] : memref<64x768xf32, #tpu.memory_space<hbm>> -> memref<64x768xf32, #tpu.memory_space<hbm>>
    tpu.wait_indirect_dma semaphore(%arg8 : memref<!tpu.dma_semaphore, #tpu.memory_space<semaphore_mem>>) src(%dma_wait3A_158 : memref<64x768xf32, #tpu.memory_space<hbm>>) dst(%arg7 : memref<64x768xf32, #tpu.memory_space<vmem>>)
    %add3A_159 = arith.constant 448 : i32
    %add3A_160 = arith.addi %mul3A_2, %add3A_159 : i32
    %dma_start3A_161 = arith.constant 0 : i32
    %dma_start3A_162 = tpu.memref_slice %arg4[%add3A_160, %dma_start3A_161] : memref<32768x768xf32, #tpu.memory_space<hbm>> -> memref<64x768xf32, #tpu.memory_space<hbm>>
    %dma_start3A_163 = arith.constant 0 : i32
    %dma_start3A_164 = tpu.memref_slice %arg4[%add3A_160, %dma_start3A_163] : memref<32768x768xf32, #tpu.memory_space<hbm>> -> memref<64x768xf32, #tpu.memory_space<hbm>>
    tpu.enqueue_dma source(%arg7 : memref<64x768xf32, #tpu.memory_space<vmem>>) target(%dma_start3A_164 : memref<64x768xf32, #tpu.memory_space<hbm>>) target_semaphore(%arg9 : memref<!tpu.dma_semaphore, #tpu.memory_space<semaphore_mem>>)
    %add3A_165 = arith.constant 384 : i32
    %add3A_166 = arith.addi %mul3A_2, %add3A_165 : i32
    %dma_wait3A_167 = arith.constant 0 : i32
    %dma_wait3A_168 = tpu.memref_slice %arg4[%add3A_166, %dma_wait3A_167] : memref<32768x768xf32, #tpu.memory_space<hbm>> -> memref<64x768xf32, #tpu.memory_space<hbm>>
    %dma_wait3A_169 = arith.constant 0 : i32
    %dma_wait3A_170 = tpu.memref_slice %arg4[%add3A_166, %dma_wait3A_169] : memref<32768x768xf32, #tpu.memory_space<hbm>> -> memref<64x768xf32, #tpu.memory_space<hbm>>
    tpu.wait_dma2 semaphore(%arg9 : memref<!tpu.dma_semaphore, #tpu.memory_space<semaphore_mem>>) src(%arg6 : memref<64x768xf32, #tpu.memory_space<vmem>>) dst(%dma_wait3A_170 : memref<64x768xf32, #tpu.memory_space<hbm>>)
    %dma_start3A_171 = arith.constant 512 : i32
    %dma_start3A_172 = tpu.memref_slice %arg5[%dma_start3A_171] : memref<1024xi32, #tpu.memory_space<vmem>> -> memref<64xi32, #tpu.memory_space<vmem>>
    %dma_start3A_173 = arith.constant 0 : i32
    %dma_start3A_174 = arith.constant 0 : i32
    %dma_start3A_175 = tpu.memref_slice %arg2[%dma_start3A_173, %dma_start3A_174] : memref<64x768xf32, #tpu.memory_space<hbm>> -> memref<64x768xf32, #tpu.memory_space<hbm>>
    tpu.enqueue_indirect_dma source(%dma_start3A_175 : memref<64x768xf32, #tpu.memory_space<hbm>>) target(%arg6 : memref<64x768xf32, #tpu.memory_space<vmem>>) offsets(%dma_start3A_172 : memref<64xi32, #tpu.memory_space<vmem>>) semaphore(%arg8 : memref<!tpu.dma_semaphore, #tpu.memory_space<semaphore_mem>>)
    %dma_wait3A_176 = arith.constant 512 : i32
    %dma_wait3A_177 = tpu.memref_slice %arg5[%dma_wait3A_176] : memref<1024xi32, #tpu.memory_space<vmem>> -> memref<64xi32, #tpu.memory_space<vmem>>
    %dma_wait3A_178 = arith.constant 0 : i32
    %dma_wait3A_179 = arith.constant 0 : i32
    %dma_wait3A_180 = tpu.memref_slice %arg2[%dma_wait3A_178, %dma_wait3A_179] : memref<64x768xf32, #tpu.memory_space<hbm>> -> memref<64x768xf32, #tpu.memory_space<hbm>>
    tpu.wait_indirect_dma semaphore(%arg8 : memref<!tpu.dma_semaphore, #tpu.memory_space<semaphore_mem>>) src(%dma_wait3A_180 : memref<64x768xf32, #tpu.memory_space<hbm>>) dst(%arg6 : memref<64x768xf32, #tpu.memory_space<vmem>>)
    %add3A_181 = arith.constant 512 : i32
    %add3A_182 = arith.addi %mul3A_2, %add3A_181 : i32
    %dma_start3A_183 = arith.constant 0 : i32
    %dma_start3A_184 = tpu.memref_slice %arg4[%add3A_182, %dma_start3A_183] : memref<32768x768xf32, #tpu.memory_space<hbm>> -> memref<64x768xf32, #tpu.memory_space<hbm>>
    %dma_start3A_185 = arith.constant 0 : i32
    %dma_start3A_186 = tpu.memref_slice %arg4[%add3A_182, %dma_start3A_185] : memref<32768x768xf32, #tpu.memory_space<hbm>> -> memref<64x768xf32, #tpu.memory_space<hbm>>
    tpu.enqueue_dma source(%arg6 : memref<64x768xf32, #tpu.memory_space<vmem>>) target(%dma_start3A_186 : memref<64x768xf32, #tpu.memory_space<hbm>>) target_semaphore(%arg9 : memref<!tpu.dma_semaphore, #tpu.memory_space<semaphore_mem>>)
    %add3A_187 = arith.constant 448 : i32
    %add3A_188 = arith.addi %mul3A_2, %add3A_187 : i32
    %dma_wait3A_189 = arith.constant 0 : i32
    %dma_wait3A_190 = tpu.memref_slice %arg4[%add3A_188, %dma_wait3A_189] : memref<32768x768xf32, #tpu.memory_space<hbm>> -> memref<64x768xf32, #tpu.memory_space<hbm>>
    %dma_wait3A_191 = arith.constant 0 : i32
    %dma_wait3A_192 = tpu.memref_slice %arg4[%add3A_188, %dma_wait3A_191] : memref<32768x768xf32, #tpu.memory_space<hbm>> -> memref<64x768xf32, #tpu.memory_space<hbm>>
    tpu.wait_dma2 semaphore(%arg9 : memref<!tpu.dma_semaphore, #tpu.memory_space<semaphore_mem>>) src(%arg7 : memref<64x768xf32, #tpu.memory_space<vmem>>) dst(%dma_wait3A_192 : memref<64x768xf32, #tpu.memory_space<hbm>>)
    %dma_start3A_193 = arith.constant 576 : i32
    %dma_start3A_194 = tpu.memref_slice %arg5[%dma_start3A_193] : memref<1024xi32, #tpu.memory_space<vmem>> -> memref<64xi32, #tpu.memory_space<vmem>>
    %dma_start3A_195 = arith.constant 0 : i32
    %dma_start3A_196 = arith.constant 0 : i32
    %dma_start3A_197 = tpu.memref_slice %arg2[%dma_start3A_195, %dma_start3A_196] : memref<64x768xf32, #tpu.memory_space<hbm>> -> memref<64x768xf32, #tpu.memory_space<hbm>>
    tpu.enqueue_indirect_dma source(%dma_start3A_197 : memref<64x768xf32, #tpu.memory_space<hbm>>) target(%arg7 : memref<64x768xf32, #tpu.memory_space<vmem>>) offsets(%dma_start3A_194 : memref<64xi32, #tpu.memory_space<vmem>>) semaphore(%arg8 : memref<!tpu.dma_semaphore, #tpu.memory_space<semaphore_mem>>)
    %dma_wait3A_198 = arith.constant 576 : i32
    %dma_wait3A_199 = tpu.memref_slice %arg5[%dma_wait3A_198] : memref<1024xi32, #tpu.memory_space<vmem>> -> memref<64xi32, #tpu.memory_space<vmem>>
    %dma_wait3A_200 = arith.constant 0 : i32
    %dma_wait3A_201 = arith.constant 0 : i32
    %dma_wait3A_202 = tpu.memref_slice %arg2[%dma_wait3A_200, %dma_wait3A_201] : memref<64x768xf32, #tpu.memory_space<hbm>> -> memref<64x768xf32, #tpu.memory_space<hbm>>
    tpu.wait_indirect_dma semaphore(%arg8 : memref<!tpu.dma_semaphore, #tpu.memory_space<semaphore_mem>>) src(%dma_wait3A_202 : memref<64x768xf32, #tpu.memory_space<hbm>>) dst(%arg7 : memref<64x768xf32, #tpu.memory_space<vmem>>)
    %add3A_203 = arith.constant 576 : i32
    %add3A_204 = arith.addi %mul3A_2, %add3A_203 : i32
    %dma_start3A_205 = arith.constant 0 : i32
    %dma_start3A_206 = tpu.memref_slice %arg4[%add3A_204, %dma_start3A_205] : memref<32768x768xf32, #tpu.memory_space<hbm>> -> memref<64x768xf32, #tpu.memory_space<hbm>>
    %dma_start3A_207 = arith.constant 0 : i32
    %dma_start3A_208 = tpu.memref_slice %arg4[%add3A_204, %dma_start3A_207] : memref<32768x768xf32, #tpu.memory_space<hbm>> -> memref<64x768xf32, #tpu.memory_space<hbm>>
    tpu.enqueue_dma source(%arg7 : memref<64x768xf32, #tpu.memory_space<vmem>>) target(%dma_start3A_208 : memref<64x768xf32, #tpu.memory_space<hbm>>) target_semaphore(%arg9 : memref<!tpu.dma_semaphore, #tpu.memory_space<semaphore_mem>>)
    %add3A_209 = arith.constant 512 : i32
    %add3A_210 = arith.addi %mul3A_2, %add3A_209 : i32
    %dma_wait3A_211 = arith.constant 0 : i32
    %dma_wait3A_212 = tpu.memref_slice %arg4[%add3A_210, %dma_wait3A_211] : memref<32768x768xf32, #tpu.memory_space<hbm>> -> memref<64x768xf32, #tpu.memory_space<hbm>>
    %dma_wait3A_213 = arith.constant 0 : i32
    %dma_wait3A_214 = tpu.memref_slice %arg4[%add3A_210, %dma_wait3A_213] : memref<32768x768xf32, #tpu.memory_space<hbm>> -> memref<64x768xf32, #tpu.memory_space<hbm>>
    tpu.wait_dma2 semaphore(%arg9 : memref<!tpu.dma_semaphore, #tpu.memory_space<semaphore_mem>>) src(%arg6 : memref<64x768xf32, #tpu.memory_space<vmem>>) dst(%dma_wait3A_214 : memref<64x768xf32, #tpu.memory_space<hbm>>)
    %dma_start3A_215 = arith.constant 640 : i32
    %dma_start3A_216 = tpu.memref_slice %arg5[%dma_start3A_215] : memref<1024xi32, #tpu.memory_space<vmem>> -> memref<64xi32, #tpu.memory_space<vmem>>
    %dma_start3A_217 = arith.constant 0 : i32
    %dma_start3A_218 = arith.constant 0 : i32
    %dma_start3A_219 = tpu.memref_slice %arg2[%dma_start3A_217, %dma_start3A_218] : memref<64x768xf32, #tpu.memory_space<hbm>> -> memref<64x768xf32, #tpu.memory_space<hbm>>
    tpu.enqueue_indirect_dma source(%dma_start3A_219 : memref<64x768xf32, #tpu.memory_space<hbm>>) target(%arg6 : memref<64x768xf32, #tpu.memory_space<vmem>>) offsets(%dma_start3A_216 : memref<64xi32, #tpu.memory_space<vmem>>) semaphore(%arg8 : memref<!tpu.dma_semaphore, #tpu.memory_space<semaphore_mem>>)
    %dma_wait3A_220 = arith.constant 640 : i32
    %dma_wait3A_221 = tpu.memref_slice %arg5[%dma_wait3A_220] : memref<1024xi32, #tpu.memory_space<vmem>> -> memref<64xi32, #tpu.memory_space<vmem>>
    %dma_wait3A_222 = arith.constant 0 : i32
    %dma_wait3A_223 = arith.constant 0 : i32
    %dma_wait3A_224 = tpu.memref_slice %arg2[%dma_wait3A_222, %dma_wait3A_223] : memref<64x768xf32, #tpu.memory_space<hbm>> -> memref<64x768xf32, #tpu.memory_space<hbm>>
    tpu.wait_indirect_dma semaphore(%arg8 : memref<!tpu.dma_semaphore, #tpu.memory_space<semaphore_mem>>) src(%dma_wait3A_224 : memref<64x768xf32, #tpu.memory_space<hbm>>) dst(%arg6 : memref<64x768xf32, #tpu.memory_space<vmem>>)
    %add3A_225 = arith.constant 640 : i32
    %add3A_226 = arith.addi %mul3A_2, %add3A_225 : i32
    %dma_start3A_227 = arith.constant 0 : i32
    %dma_start3A_228 = tpu.memref_slice %arg4[%add3A_226, %dma_start3A_227] : memref<32768x768xf32, #tpu.memory_space<hbm>> -> memref<64x768xf32, #tpu.memory_space<hbm>>
    %dma_start3A_229 = arith.constant 0 : i32
    %dma_start3A_230 = tpu.memref_slice %arg4[%add3A_226, %dma_start3A_229] : memref<32768x768xf32, #tpu.memory_space<hbm>> -> memref<64x768xf32, #tpu.memory_space<hbm>>
    tpu.enqueue_dma source(%arg6 : memref<64x768xf32, #tpu.memory_space<vmem>>) target(%dma_start3A_230 : memref<64x768xf32, #tpu.memory_space<hbm>>) target_semaphore(%arg9 : memref<!tpu.dma_semaphore, #tpu.memory_space<semaphore_mem>>)
    %add3A_231 = arith.constant 576 : i32
    %add3A_232 = arith.addi %mul3A_2, %add3A_231 : i32
    %dma_wait3A_233 = arith.constant 0 : i32
    %dma_wait3A_234 = tpu.memref_slice %arg4[%add3A_232, %dma_wait3A_233] : memref<32768x768xf32, #tpu.memory_space<hbm>> -> memref<64x768xf32, #tpu.memory_space<hbm>>
    %dma_wait3A_235 = arith.constant 0 : i32
    %dma_wait3A_236 = tpu.memref_slice %arg4[%add3A_232, %dma_wait3A_235] : memref<32768x768xf32, #tpu.memory_space<hbm>> -> memref<64x768xf32, #tpu.memory_space<hbm>>
    tpu.wait_dma2 semaphore(%arg9 : memref<!tpu.dma_semaphore, #tpu.memory_space<semaphore_mem>>) src(%arg7 : memref<64x768xf32, #tpu.memory_space<vmem>>) dst(%dma_wait3A_236 : memref<64x768xf32, #tpu.memory_space<hbm>>)
    %dma_start3A_237 = arith.constant 704 : i32
    %dma_start3A_238 = tpu.memref_slice %arg5[%dma_start3A_237] : memref<1024xi32, #tpu.memory_space<vmem>> -> memref<64xi32, #tpu.memory_space<vmem>>
    %dma_start3A_239 = arith.constant 0 : i32
    %dma_start3A_240 = arith.constant 0 : i32
    %dma_start3A_241 = tpu.memref_slice %arg2[%dma_start3A_239, %dma_start3A_240] : memref<64x768xf32, #tpu.memory_space<hbm>> -> memref<64x768xf32, #tpu.memory_space<hbm>>
    tpu.enqueue_indirect_dma source(%dma_start3A_241 : memref<64x768xf32, #tpu.memory_space<hbm>>) target(%arg7 : memref<64x768xf32, #tpu.memory_space<vmem>>) offsets(%dma_start3A_238 : memref<64xi32, #tpu.memory_space<vmem>>) semaphore(%arg8 : memref<!tpu.dma_semaphore, #tpu.memory_space<semaphore_mem>>)
    %dma_wait3A_242 = arith.constant 704 : i32
    %dma_wait3A_243 = tpu.memref_slice %arg5[%dma_wait3A_242] : memref<1024xi32, #tpu.memory_space<vmem>> -> memref<64xi32, #tpu.memory_space<vmem>>
    %dma_wait3A_244 = arith.constant 0 : i32
    %dma_wait3A_245 = arith.constant 0 : i32
    %dma_wait3A_246 = tpu.memref_slice %arg2[%dma_wait3A_244, %dma_wait3A_245] : memref<64x768xf32, #tpu.memory_space<hbm>> -> memref<64x768xf32, #tpu.memory_space<hbm>>
    tpu.wait_indirect_dma semaphore(%arg8 : memref<!tpu.dma_semaphore, #tpu.memory_space<semaphore_mem>>) src(%dma_wait3A_246 : memref<64x768xf32, #tpu.memory_space<hbm>>) dst(%arg7 : memref<64x768xf32, #tpu.memory_space<vmem>>)
    %add3A_247 = arith.constant 704 : i32
    %add3A_248 = arith.addi %mul3A_2, %add3A_247 : i32
    %dma_start3A_249 = arith.constant 0 : i32
    %dma_start3A_250 = tpu.memref_slice %arg4[%add3A_248, %dma_start3A_249] : memref<32768x768xf32, #tpu.memory_space<hbm>> -> memref<64x768xf32, #tpu.memory_space<hbm>>
    %dma_start3A_251 = arith.constant 0 : i32
    %dma_start3A_252 = tpu.memref_slice %arg4[%add3A_248, %dma_start3A_251] : memref<32768x768xf32, #tpu.memory_space<hbm>> -> memref<64x768xf32, #tpu.memory_space<hbm>>
    tpu.enqueue_dma source(%arg7 : memref<64x768xf32, #tpu.memory_space<vmem>>) target(%dma_start3A_252 : memref<64x768xf32, #tpu.memory_space<hbm>>) target_semaphore(%arg9 : memref<!tpu.dma_semaphore, #tpu.memory_space<semaphore_mem>>)
    %add3A_253 = arith.constant 640 : i32
    %add3A_254 = arith.addi %mul3A_2, %add3A_253 : i32
    %dma_wait3A_255 = arith.constant 0 : i32
    %dma_wait3A_256 = tpu.memref_slice %arg4[%add3A_254, %dma_wait3A_255] : memref<32768x768xf32, #tpu.memory_space<hbm>> -> memref<64x768xf32, #tpu.memory_space<hbm>>
    %dma_wait3A_257 = arith.constant 0 : i32
    %dma_wait3A_258 = tpu.memref_slice %arg4[%add3A_254, %dma_wait3A_257] : memref<32768x768xf32, #tpu.memory_space<hbm>> -> memref<64x768xf32, #tpu.memory_space<hbm>>
    tpu.wait_dma2 semaphore(%arg9 : memref<!tpu.dma_semaphore, #tpu.memory_space<semaphore_mem>>) src(%arg6 : memref<64x768xf32, #tpu.memory_space<vmem>>) dst(%dma_wait3A_258 : memref<64x768xf32, #tpu.memory_space<hbm>>)
    %dma_start3A_259 = arith.constant 768 : i32
    %dma_start3A_260 = tpu.memref_slice %arg5[%dma_start3A_259] : memref<1024xi32, #tpu.memory_space<vmem>> -> memref<64xi32, #tpu.memory_space<vmem>>
    %dma_start3A_261 = arith.constant 0 : i32
    %dma_start3A_262 = arith.constant 0 : i32
    %dma_start3A_263 = tpu.memref_slice %arg2[%dma_start3A_261, %dma_start3A_262] : memref<64x768xf32, #tpu.memory_space<hbm>> -> memref<64x768xf32, #tpu.memory_space<hbm>>
    tpu.enqueue_indirect_dma source(%dma_start3A_263 : memref<64x768xf32, #tpu.memory_space<hbm>>) target(%arg6 : memref<64x768xf32, #tpu.memory_space<vmem>>) offsets(%dma_start3A_260 : memref<64xi32, #tpu.memory_space<vmem>>) semaphore(%arg8 : memref<!tpu.dma_semaphore, #tpu.memory_space<semaphore_mem>>)
    %dma_wait3A_264 = arith.constant 768 : i32
    %dma_wait3A_265 = tpu.memref_slice %arg5[%dma_wait3A_264] : memref<1024xi32, #tpu.memory_space<vmem>> -> memref<64xi32, #tpu.memory_space<vmem>>
    %dma_wait3A_266 = arith.constant 0 : i32
    %dma_wait3A_267 = arith.constant 0 : i32
    %dma_wait3A_268 = tpu.memref_slice %arg2[%dma_wait3A_266, %dma_wait3A_267] : memref<64x768xf32, #tpu.memory_space<hbm>> -> memref<64x768xf32, #tpu.memory_space<hbm>>
    tpu.wait_indirect_dma semaphore(%arg8 : memref<!tpu.dma_semaphore, #tpu.memory_space<semaphore_mem>>) src(%dma_wait3A_268 : memref<64x768xf32, #tpu.memory_space<hbm>>) dst(%arg6 : memref<64x768xf32, #tpu.memory_space<vmem>>)
    %add3A_269 = arith.constant 768 : i32
    %add3A_270 = arith.addi %mul3A_2, %add3A_269 : i32
    %dma_start3A_271 = arith.constant 0 : i32
    %dma_start3A_272 = tpu.memref_slice %arg4[%add3A_270, %dma_start3A_271] : memref<32768x768xf32, #tpu.memory_space<hbm>> -> memref<64x768xf32, #tpu.memory_space<hbm>>
    %dma_start3A_273 = arith.constant 0 : i32
    %dma_start3A_274 = tpu.memref_slice %arg4[%add3A_270, %dma_start3A_273] : memref<32768x768xf32, #tpu.memory_space<hbm>> -> memref<64x768xf32, #tpu.memory_space<hbm>>
    tpu.enqueue_dma source(%arg6 : memref<64x768xf32, #tpu.memory_space<vmem>>) target(%dma_start3A_274 : memref<64x768xf32, #tpu.memory_space<hbm>>) target_semaphore(%arg9 : memref<!tpu.dma_semaphore, #tpu.memory_space<semaphore_mem>>)
    %add3A_275 = arith.constant 704 : i32
    %add3A_276 = arith.addi %mul3A_2, %add3A_275 : i32
    %dma_wait3A_277 = arith.constant 0 : i32
    %dma_wait3A_278 = tpu.memref_slice %arg4[%add3A_276, %dma_wait3A_277] : memref<32768x768xf32, #tpu.memory_space<hbm>> -> memref<64x768xf32, #tpu.memory_space<hbm>>
    %dma_wait3A_279 = arith.constant 0 : i32
    %dma_wait3A_280 = tpu.memref_slice %arg4[%add3A_276, %dma_wait3A_279] : memref<32768x768xf32, #tpu.memory_space<hbm>> -> memref<64x768xf32, #tpu.memory_space<hbm>>
    tpu.wait_dma2 semaphore(%arg9 : memref<!tpu.dma_semaphore, #tpu.memory_space<semaphore_mem>>) src(%arg7 : memref<64x768xf32, #tpu.memory_space<vmem>>) dst(%dma_wait3A_280 : memref<64x768xf32, #tpu.memory_space<hbm>>)
    %dma_start3A_281 = arith.constant 832 : i32
    %dma_start3A_282 = tpu.memref_slice %arg5[%dma_start3A_281] : memref<1024xi32, #tpu.memory_space<vmem>> -> memref<64xi32, #tpu.memory_space<vmem>>
    %dma_start3A_283 = arith.constant 0 : i32
    %dma_start3A_284 = arith.constant 0 : i32
    %dma_start3A_285 = tpu.memref_slice %arg2[%dma_start3A_283, %dma_start3A_284] : memref<64x768xf32, #tpu.memory_space<hbm>> -> memref<64x768xf32, #tpu.memory_space<hbm>>
    tpu.enqueue_indirect_dma source(%dma_start3A_285 : memref<64x768xf32, #tpu.memory_space<hbm>>) target(%arg7 : memref<64x768xf32, #tpu.memory_space<vmem>>) offsets(%dma_start3A_282 : memref<64xi32, #tpu.memory_space<vmem>>) semaphore(%arg8 : memref<!tpu.dma_semaphore, #tpu.memory_space<semaphore_mem>>)
    %dma_wait3A_286 = arith.constant 832 : i32
    %dma_wait3A_287 = tpu.memref_slice %arg5[%dma_wait3A_286] : memref<1024xi32, #tpu.memory_space<vmem>> -> memref<64xi32, #tpu.memory_space<vmem>>
    %dma_wait3A_288 = arith.constant 0 : i32
    %dma_wait3A_289 = arith.constant 0 : i32
    %dma_wait3A_290 = tpu.memref_slice %arg2[%dma_wait3A_288, %dma_wait3A_289] : memref<64x768xf32, #tpu.memory_space<hbm>> -> memref<64x768xf32, #tpu.memory_space<hbm>>
    tpu.wait_indirect_dma semaphore(%arg8 : memref<!tpu.dma_semaphore, #tpu.memory_space<semaphore_mem>>) src(%dma_wait3A_290 : memref<64x768xf32, #tpu.memory_space<hbm>>) dst(%arg7 : memref<64x768xf32, #tpu.memory_space<vmem>>)
    %add3A_291 = arith.constant 832 : i32
    %add3A_292 = arith.addi %mul3A_2, %add3A_291 : i32
    %dma_start3A_293 = arith.constant 0 : i32
    %dma_start3A_294 = tpu.memref_slice %arg4[%add3A_292, %dma_start3A_293] : memref<32768x768xf32, #tpu.memory_space<hbm>> -> memref<64x768xf32, #tpu.memory_space<hbm>>
    %dma_start3A_295 = arith.constant 0 : i32
    %dma_start3A_296 = tpu.memref_slice %arg4[%add3A_292, %dma_start3A_295] : memref<32768x768xf32, #tpu.memory_space<hbm>> -> memref<64x768xf32, #tpu.memory_space<hbm>>
    tpu.enqueue_dma source(%arg7 : memref<64x768xf32, #tpu.memory_space<vmem>>) target(%dma_start3A_296 : memref<64x768xf32, #tpu.memory_space<hbm>>) target_semaphore(%arg9 : memref<!tpu.dma_semaphore, #tpu.memory_space<semaphore_mem>>)
    %add3A_297 = arith.constant 768 : i32
    %add3A_298 = arith.addi %mul3A_2, %add3A_297 : i32
    %dma_wait3A_299 = arith.constant 0 : i32
    %dma_wait3A_300 = tpu.memref_slice %arg4[%add3A_298, %dma_wait3A_299] : memref<32768x768xf32, #tpu.memory_space<hbm>> -> memref<64x768xf32, #tpu.memory_space<hbm>>
    %dma_wait3A_301 = arith.constant 0 : i32
    %dma_wait3A_302 = tpu.memref_slice %arg4[%add3A_298, %dma_wait3A_301] : memref<32768x768xf32, #tpu.memory_space<hbm>> -> memref<64x768xf32, #tpu.memory_space<hbm>>
    tpu.wait_dma2 semaphore(%arg9 : memref<!tpu.dma_semaphore, #tpu.memory_space<semaphore_mem>>) src(%arg6 : memref<64x768xf32, #tpu.memory_space<vmem>>) dst(%dma_wait3A_302 : memref<64x768xf32, #tpu.memory_space<hbm>>)
    %dma_start3A_303 = arith.constant 896 : i32
    %dma_start3A_304 = tpu.memref_slice %arg5[%dma_start3A_303] : memref<1024xi32, #tpu.memory_space<vmem>> -> memref<64xi32, #tpu.memory_space<vmem>>
    %dma_start3A_305 = arith.constant 0 : i32
    %dma_start3A_306 = arith.constant 0 : i32
    %dma_start3A_307 = tpu.memref_slice %arg2[%dma_start3A_305, %dma_start3A_306] : memref<64x768xf32, #tpu.memory_space<hbm>> -> memref<64x768xf32, #tpu.memory_space<hbm>>
    tpu.enqueue_indirect_dma source(%dma_start3A_307 : memref<64x768xf32, #tpu.memory_space<hbm>>) target(%arg6 : memref<64x768xf32, #tpu.memory_space<vmem>>) offsets(%dma_start3A_304 : memref<64xi32, #tpu.memory_space<vmem>>) semaphore(%arg8 : memref<!tpu.dma_semaphore, #tpu.memory_space<semaphore_mem>>)
    %dma_wait3A_308 = arith.constant 896 : i32
    %dma_wait3A_309 = tpu.memref_slice %arg5[%dma_wait3A_308] : memref<1024xi32, #tpu.memory_space<vmem>> -> memref<64xi32, #tpu.memory_space<vmem>>
    %dma_wait3A_310 = arith.constant 0 : i32
    %dma_wait3A_311 = arith.constant 0 : i32
    %dma_wait3A_312 = tpu.memref_slice %arg2[%dma_wait3A_310, %dma_wait3A_311] : memref<64x768xf32, #tpu.memory_space<hbm>> -> memref<64x768xf32, #tpu.memory_space<hbm>>
    tpu.wait_indirect_dma semaphore(%arg8 : memref<!tpu.dma_semaphore, #tpu.memory_space<semaphore_mem>>) src(%dma_wait3A_312 : memref<64x768xf32, #tpu.memory_space<hbm>>) dst(%arg6 : memref<64x768xf32, #tpu.memory_space<vmem>>)
    %add3A_313 = arith.constant 896 : i32
    %add3A_314 = arith.addi %mul3A_2, %add3A_313 : i32
    %dma_start3A_315 = arith.constant 0 : i32
    %dma_start3A_316 = tpu.memref_slice %arg4[%add3A_314, %dma_start3A_315] : memref<32768x768xf32, #tpu.memory_space<hbm>> -> memref<64x768xf32, #tpu.memory_space<hbm>>
    %dma_start3A_317 = arith.constant 0 : i32
    %dma_start3A_318 = tpu.memref_slice %arg4[%add3A_314, %dma_start3A_317] : memref<32768x768xf32, #tpu.memory_space<hbm>> -> memref<64x768xf32, #tpu.memory_space<hbm>>
    tpu.enqueue_dma source(%arg6 : memref<64x768xf32, #tpu.memory_space<vmem>>) target(%dma_start3A_318 : memref<64x768xf32, #tpu.memory_space<hbm>>) target_semaphore(%arg9 : memref<!tpu.dma_semaphore, #tpu.memory_space<semaphore_mem>>)
    %add3A_319 = arith.constant 832 : i32
    %add3A_320 = arith.addi %mul3A_2, %add3A_319 : i32
    %dma_wait3A_321 = arith.constant 0 : i32
    %dma_wait3A_322 = tpu.memref_slice %arg4[%add3A_320, %dma_wait3A_321] : memref<32768x768xf32, #tpu.memory_space<hbm>> -> memref<64x768xf32, #tpu.memory_space<hbm>>
    %dma_wait3A_323 = arith.constant 0 : i32
    %dma_wait3A_324 = tpu.memref_slice %arg4[%add3A_320, %dma_wait3A_323] : memref<32768x768xf32, #tpu.memory_space<hbm>> -> memref<64x768xf32, #tpu.memory_space<hbm>>
    tpu.wait_dma2 semaphore(%arg9 : memref<!tpu.dma_semaphore, #tpu.memory_space<semaphore_mem>>) src(%arg7 : memref<64x768xf32, #tpu.memory_space<vmem>>) dst(%dma_wait3A_324 : memref<64x768xf32, #tpu.memory_space<hbm>>)
    %dma_start3A_325 = arith.constant 960 : i32
    %dma_start3A_326 = tpu.memref_slice %arg5[%dma_start3A_325] : memref<1024xi32, #tpu.memory_space<vmem>> -> memref<64xi32, #tpu.memory_space<vmem>>
    %dma_start3A_327 = arith.constant 0 : i32
    %dma_start3A_328 = arith.constant 0 : i32
    %dma_start3A_329 = tpu.memref_slice %arg2[%dma_start3A_327, %dma_start3A_328] : memref<64x768xf32, #tpu.memory_space<hbm>> -> memref<64x768xf32, #tpu.memory_space<hbm>>
    tpu.enqueue_indirect_dma source(%dma_start3A_329 : memref<64x768xf32, #tpu.memory_space<hbm>>) target(%arg7 : memref<64x768xf32, #tpu.memory_space<vmem>>) offsets(%dma_start3A_326 : memref<64xi32, #tpu.memory_space<vmem>>) semaphore(%arg8 : memref<!tpu.dma_semaphore, #tpu.memory_space<semaphore_mem>>)
    %dma_wait3A_330 = arith.constant 960 : i32
    %dma_wait3A_331 = tpu.memref_slice %arg5[%dma_wait3A_330] : memref<1024xi32, #tpu.memory_space<vmem>> -> memref<64xi32, #tpu.memory_space<vmem>>
    %dma_wait3A_332 = arith.constant 0 : i32
    %dma_wait3A_333 = arith.constant 0 : i32
    %dma_wait3A_334 = tpu.memref_slice %arg2[%dma_wait3A_332, %dma_wait3A_333] : memref<64x768xf32, #tpu.memory_space<hbm>> -> memref<64x768xf32, #tpu.memory_space<hbm>>
    tpu.wait_indirect_dma semaphore(%arg8 : memref<!tpu.dma_semaphore, #tpu.memory_space<semaphore_mem>>) src(%dma_wait3A_334 : memref<64x768xf32, #tpu.memory_space<hbm>>) dst(%arg7 : memref<64x768xf32, #tpu.memory_space<vmem>>)
    %add3A_335 = arith.constant 960 : i32
    %add3A_336 = arith.addi %mul3A_2, %add3A_335 : i32
    %dma_start3A_337 = arith.constant 0 : i32
    %dma_start3A_338 = tpu.memref_slice %arg4[%add3A_336, %dma_start3A_337] : memref<32768x768xf32, #tpu.memory_space<hbm>> -> memref<64x768xf32, #tpu.memory_space<hbm>>
    %dma_start3A_339 = arith.constant 0 : i32
    %dma_start3A_340 = tpu.memref_slice %arg4[%add3A_336, %dma_start3A_339] : memref<32768x768xf32, #tpu.memory_space<hbm>> -> memref<64x768xf32, #tpu.memory_space<hbm>>
    tpu.enqueue_dma source(%arg7 : memref<64x768xf32, #tpu.memory_space<vmem>>) target(%dma_start3A_340 : memref<64x768xf32, #tpu.memory_space<hbm>>) target_semaphore(%arg9 : memref<!tpu.dma_semaphore, #tpu.memory_space<semaphore_mem>>)
    %add3A_341 = arith.constant 896 : i32
    %add3A_342 = arith.addi %mul3A_2, %add3A_341 : i32
    %dma_wait3A_343 = arith.constant 0 : i32
    %dma_wait3A_344 = tpu.memref_slice %arg4[%add3A_342, %dma_wait3A_343] : memref<32768x768xf32, #tpu.memory_space<hbm>> -> memref<64x768xf32, #tpu.memory_space<hbm>>
    %dma_wait3A_345 = arith.constant 0 : i32
    %dma_wait3A_346 = tpu.memref_slice %arg4[%add3A_342, %dma_wait3A_345] : memref<32768x768xf32, #tpu.memory_space<hbm>> -> memref<64x768xf32, #tpu.memory_space<hbm>>
    tpu.wait_dma2 semaphore(%arg9 : memref<!tpu.dma_semaphore, #tpu.memory_space<semaphore_mem>>) src(%arg6 : memref<64x768xf32, #tpu.memory_space<vmem>>) dst(%dma_wait3A_346 : memref<64x768xf32, #tpu.memory_space<hbm>>)
    %add3A_347 = arith.constant 960 : i32
    %add3A_348 = arith.addi %mul3A_2, %add3A_347 : i32
    %dma_wait3A_349 = arith.constant 0 : i32
    %dma_wait3A_350 = tpu.memref_slice %arg4[%add3A_348, %dma_wait3A_349] : memref<32768x768xf32, #tpu.memory_space<hbm>> -> memref<64x768xf32, #tpu.memory_space<hbm>>
    %dma_wait3A_351 = arith.constant 0 : i32
    %dma_wait3A_352 = tpu.memref_slice %arg4[%add3A_348, %dma_wait3A_351] : memref<32768x768xf32, #tpu.memory_space<hbm>> -> memref<64x768xf32, #tpu.memory_space<hbm>>
    tpu.wait_dma2 semaphore(%arg9 : memref<!tpu.dma_semaphore, #tpu.memory_space<semaphore_mem>>) src(%arg7 : memref<64x768xf32, #tpu.memory_space<vmem>>) dst(%dma_wait3A_352 : memref<64x768xf32, #tpu.memory_space<hbm>>)
    return
  }
}

module attributes {stable_mosaic.version = 14 : i64} {
  func.func @_idx_body(%arg0: i32, %arg1: memref<4096x768xf32, #tpu.memory_space<vmem>>, %arg2: memref<768x6xf32, #tpu.memory_space<vmem>>, %arg3: memref<1x6xf32, #tpu.memory_space<vmem>>, %arg4: memref<1x6xi32, #tpu.memory_space<vmem>>, %arg5: memref<4096x1xi32, #tpu.memory_space<vmem>>) attributes {dimension_semantics = [#tpu.dimension_semantics<arbitrary>], iteration_bounds = array<i64: 8>, scalar_prefetch = 0 : i64, scratch_operands = 0 : i64, tpu.core_type = #tpu.core_type<tc>, window_params = [{transform_indices = @transform_0, window_bounds = array<i64: 4096, 768>}, {pipeline_mode = #tpu.pipeline_mode<synchronous>, transform_indices = @transform_1, window_bounds = array<i64: 768, 6>}, {pipeline_mode = #tpu.pipeline_mode<synchronous>, transform_indices = @transform_2, window_bounds = array<i64: 1, 6>}, {pipeline_mode = #tpu.pipeline_mode<synchronous>, transform_indices = @transform_3, window_bounds = array<i64: 1, 6>}, {transform_indices = @transform_4, window_bounds = array<i64: 4096, 1>}]} {
    %get3A = arith.constant 0 : index
    %get3A_0 = arith.constant 0 : index
    %get3A_1 = vector.load %arg1[%get3A, %get3A_0] : memref<4096x768xf32, #tpu.memory_space<vmem>>, vector<4096x768xf32>
    %get3A_2 = arith.constant 0 : index
    %get3A_3 = arith.constant 0 : index
    %get3A_4 = vector.load %arg2[%get3A_2, %get3A_3] : memref<768x6xf32, #tpu.memory_space<vmem>>, vector<768x6xf32>
    %dot_general3A = arith.constant dense<0.000000e+00> : vector<4096x6xf32>
    %dot_general3A_5 = tpu.matmul %get3A_1, %get3A_4, %dot_general3A {dimension_numbers = #tpu.dot_dimension_numbers<[1], [0], [0], [1], [0, 0, 1, 1], [], []>, transpose_lhs_hint = false} : vector<4096x768xf32>, vector<768x6xf32>, vector<4096x6xf32> -> vector<4096x6xf32>
    %get3A_6 = arith.constant 0 : index
    %get3A_7 = arith.constant 0 : index
    %get3A_8 = vector.load %arg3[%get3A_6, %get3A_7] : memref<1x6xf32, #tpu.memory_space<vmem>>, vector<1x6xf32>
    %add3A = vector.broadcast %get3A_8 : vector<1x6xf32> to vector<4096x6xf32>
    %add3A_9 = arith.addf %dot_general3A_5, %add3A : vector<4096x6xf32>
    %gt3A = arith.constant 0.000000e+00 : f32
    %gt3A_10 = vector.broadcast %gt3A : f32 to vector<4096x6xf32>
    %gt3A_11 = arith.cmpf ogt, %add3A_9, %gt3A_10 : vector<4096x6xf32>
    %get3A_12 = arith.constant 0 : index
    %get3A_13 = arith.constant 0 : index
    %get3A_14 = vector.load %arg4[%get3A_12, %get3A_13] : memref<1x6xi32, #tpu.memory_space<vmem>>, vector<1x6xi32>
    %jit3A = arith.constant 0 : i32
    %broadcast_in_dim3A = vector.shape_cast %get3A_14 : vector<1x6xi32> to vector<1x6xi32>
    %broadcast_in_dim3A_15 = vector.broadcast %broadcast_in_dim3A : vector<1x6xi32> to vector<4096x6xi32>
    %broadcast_in_dim3A_16 = vector.broadcast %jit3A : i32 to vector<4096x6xi32>
    %select_n3A = arith.select %gt3A_11, %broadcast_in_dim3A_15, %broadcast_in_dim3A_16 : vector<4096x6xi1>, vector<4096x6xi32>
    %reduce_sum3A = arith.constant dense<0> : vector<4096xi32>
    %reduce_sum3A_17 = vector.multi_reduction <add>, %select_n3A, %reduce_sum3A [1] : vector<4096x6xi32> to vector<4096xi32>
    %broadcast_in_dim3A_18 = vector.shape_cast %reduce_sum3A_17 : vector<4096xi32> to vector<4096x1xi32>
    %swap3A = arith.constant 0 : index
    %swap3A_19 = arith.constant 0 : index
    %swap3A_20 = vector.load %arg5[%swap3A, %swap3A_19] : memref<4096x1xi32, #tpu.memory_space<vmem>>, vector<4096x1xi32>
    tpu.vector_store %arg5[%swap3A, %swap3A_19], %broadcast_in_dim3A_18 {strides = array<i32>} : memref<4096x1xi32, #tpu.memory_space<vmem>>, vector<4096x1xi32>,
    return
  }
  func.func @transform_0(%arg0: i32) -> (i32, i32) {
    %c0_i32 = arith.constant 0 : i32
    %c0_i32_0 = arith.constant 0 : i32
    return %arg0, %c0_i32 : i32, i32
  }
  func.func @transform_1(%arg0: i32) -> (i32, i32) {
    %c0_i32 = arith.constant 0 : i32
    %c0_i32_0 = arith.constant 0 : i32
    %c0_i32_1 = arith.constant 0 : i32
    return %c0_i32, %c0_i32_0 : i32, i32
  }
  func.func @transform_2(%arg0: i32) -> (i32, i32) {
    %c0_i32 = arith.constant 0 : i32
    %c0_i32_0 = arith.constant 0 : i32
    %c0_i32_1 = arith.constant 0 : i32
    return %c0_i32, %c0_i32_0 : i32, i32
  }
  func.func @transform_3(%arg0: i32) -> (i32, i32) {
    %c0_i32 = arith.constant 0 : i32
    %c0_i32_0 = arith.constant 0 : i32
    %c0_i32_1 = arith.constant 0 : i32
    return %c0_i32, %c0_i32_0 : i32, i32
  }
  func.func @transform_4(%arg0: i32) -> (i32, i32) {
    %c0_i32 = arith.constant 0 : i32
    %c0_i32_0 = arith.constant 0 : i32
    return %arg0, %c0_i32 : i32, i32
  }
}

module attributes {stable_mosaic.version = 14 : i64} {
  func.func @_table_body(%arg0: memref<64x6xf32, #tpu.memory_space<vmem>>, %arg1: memref<6x768xf32, #tpu.memory_space<vmem>>, %arg2: memref<1x768xf32, #tpu.memory_space<vmem>>, %arg3: memref<64x768xf32, #tpu.memory_space<vmem>>) attributes {dimension_semantics = [], scalar_prefetch = 0 : i64, scratch_operands = 0 : i64, tpu.core_type = #tpu.core_type<tc>} {
    %get3A = arith.constant 0 : index
    %get3A_0 = arith.constant 0 : index
    %get3A_1 = vector.load %arg0[%get3A, %get3A_0] : memref<64x6xf32, #tpu.memory_space<vmem>>, vector<64x6xf32>
    %get3A_2 = arith.constant 0 : index
    %get3A_3 = arith.constant 0 : index
    %get3A_4 = vector.load %arg1[%get3A_2, %get3A_3] : memref<6x768xf32, #tpu.memory_space<vmem>>, vector<6x768xf32>
    %dot_general3A = arith.constant dense<0.000000e+00> : vector<64x768xf32>
    %dot_general3A_5 = tpu.matmul %get3A_1, %get3A_4, %dot_general3A {dimension_numbers = #tpu.dot_dimension_numbers<[1], [0], [0], [1], [0, 0, 1, 1], [], []>, transpose_lhs_hint = false} : vector<64x6xf32>, vector<6x768xf32>, vector<64x768xf32> -> vector<64x768xf32>
    %get3A_6 = arith.constant 0 : index
    %get3A_7 = arith.constant 0 : index
    %get3A_8 = vector.load %arg2[%get3A_6, %get3A_7] : memref<1x768xf32, #tpu.memory_space<vmem>>, vector<1x768xf32>
    %add3A = vector.broadcast %get3A_8 : vector<1x768xf32> to vector<64x768xf32>
    %add3A_9 = arith.addf %dot_general3A_5, %add3A : vector<64x768xf32>
    %swap3A = arith.constant 0 : index
    %swap3A_10 = arith.constant 0 : index
    %swap3A_11 = vector.load %arg3[%swap3A, %swap3A_10] : memref<64x768xf32, #tpu.memory_space<vmem>>, vector<64x768xf32>
    tpu.vector_store %arg3[%swap3A, %swap3A_10], %add3A_9 {strides = array<i32>} : memref<64x768xf32, #tpu.memory_space<vmem>>, vector<64x768xf32>,
    return
  }
}

</mosaic_0001>

<sc_bundles>
// kernel: kernel.5.cloned.1.call-start
scs
__scs_entry_jumppad:
0x0: {  	(pc) =	sbr.rel $0x88, $3  }
0x1: {  	(tag) =	ssettag $0x0;
	lr =	simm.s32 $0x1  }
0x2: {  	[smem:$0x3F9B] =	sst lr;
	_ =	strace $0xD0000000  }
0x3: {  	_ = 	snop  }
0x4: {  	_ = 	snop  }
0x5: {  	_ = 	snop  }
0x6: {  	_ = 	snop  }
0x7: {  	_ = 	snop  }
__scs_overlays_trampoline_lowered:
0x8: {  	[smem:$0x3FAA] =	sst s0  }
0x9: {  	[smem:$0x3FAB] =	sst s1  }
0xa: {  	[smem:$0x3FAC] =	sst s2  }
0xb: {  	[smem:$0x3FAD] =	sst s3  }
0xc: {  	[smem:$0x3FAE] =	sst s4  }
0xd: {  	[smem:$0x3FAF] =	sst s5  }
0xe: {  	[smem:$0x3FB0] =	sst s6  }
0xf: {  	[smem:$0x3FB1] =	sst s7  }
0x10: {  	[smem:$0x3FB2] =	sst s8  }
0x11: {  	[smem:$0x3FB3] =	sst s9;
	s0 =	simm.s32 @!p0 $0x0  }
0x12: {  	s1 =	sld [smem:$0x3F99];
	s0 =	simm.s32 @p0 $0x1  }
0x13: {  	[smem:$0x3FB4] =	sst s0;
	s0 =	simm.s32 @!p1 $0x0  }
0x14: {  	s2 =	sld [smem:$0x3F98];
	s0 =	simm.s32 @p1 $0x1  }
0x15: {  	[smem:$0x3FB5] =	sst s0;
	s0 =	simm.s32 @!p2 $0x0  }
0x16: {  	s3 =	sld [smem:$0x3FDB];
	s0 =	simm.s32 @p2 $0x1  }
0x17: {  	s4 =	simm.s32 $0x1BF5;
	[smem:$0x3FB7] =	sst s0  }
0x18: {  	s0 =	sld [smem:$0x3F9A];
	_ =	swait.ge [sflag:s4], $0x0  }
0x19: {  	s7 =	sld [smem:$0x3F9B]  }
0x1a: {  	s8 =	sadd.s32 $0xFFFFE003, lr  }
0x1b: {  	s9 =	sadd.s32 $0xFFFFFEF7, lr;
	s5 =	simm.s32 $0xFFFFFFFF;
	p2 =	slt.u32 s8, $0xFFFFF086  }
0x1c: {  	p1 =	slt.u32 s9, $0xF7A;
	s5 =	simm.s32 @!p2 $0x0  }
0x1d: {  	s5 =	simm.s32 @p1 $0x1;
	p0 =	seq.s32 s7, s2  }
0x1e: {  	s7 =	smul.u32 @!p0 $0xF7A, s2;
	p2 =	seq.s32 @!p0 s5, $0x0  }
0x1f: {  	s9 =	smul.u32 $0xF7A, s1;
	s8 =	simm.s32 @!p0 $0x1BF5;
	p2 =	por !p2, p0  }
0x20: {  	[sflag:s8] =	ssyncset.s32 @!p0 $0xFFFFF086;
	s6 =	sadd.s32 @!p0 s3, s7;
	s7 =	simm.s32 @!p0 $0x108  }
0x21: {  	s3 =	sadd.s32 s3, s9;
	s6 =	sadd.s32 @!p0 $0x88, s6;
	s7 =	simm.s32 @p2 $0x1082  }
0x22: {  	[simem:s7], [sflag:s8] =	dma.local @!p0 [hbm:s6], $0xF7A  }
0x23: {  	s9 =	sor.u32 $0xD0000000, s2;
	s6 =	simm.s32 $0x108;
	_ =	swait.ge @!p0 [sflag:s8], $0x0  }
0x24: {  	s3 =	sadd.s32 $0x88, s3;
	s6 =	simm.s32 @!p1 $0x1082;
	[sflag:s4] =	ssyncset.s32 $0xFFFFF086  }
0x25: {  	[simem:s6], [sflag:s4] =	dma.local [hbm:s3], $0xF7A  }
0x26: {  	[smem:$0x3F9B] =	sst s1;
	(tag) =	ssettag s2;
	_ =	strace s9  }
0x27: {  	s1 =	sld [smem:$0x3FAB]  }
0x28: {  	s2 =	sld [smem:$0x3FAC]  }
0x29: {  	s4 =	sld [smem:$0x3FAE]  }
0x2a: {  	p0 =	seq.s32 s5, $0x0;
	s5 =	sld [smem:$0x3FAF]  }
0x2b: {  	s6 =	sld [smem:$0x3FB0]  }
0x2c: {  	s7 =	sld [smem:$0x3FB1]  }
0x2d: {  	s3 =	simm.s32 $0x108;
	s8 =	sld [smem:$0x3FB2]  }
0x2e: {  	s3 =	simm.s32 @!p0 $0x1082;
	s9 =	sld [smem:$0x3FB3]  }
0x2f: {  	lr =	sadd.s32 s0, s3;
	s0 =	sld [smem:$0x3FAA]  }
0x30: {  	s3 =	sld [smem:$0x3FAD]  }
0x31: {  	[smem:$0x3FB6] =	sst s10  }
0x32: {  	s10 =	sld [smem:$0x3FB4];
	_ =	sdelay $0x3  }
0x33: {  	p0 =	seq.s32 s10, $0x1;
	s10 =	sld [smem:$0x3FB6];
	_ =	sdelay $0x3  }
0x34: {  	[smem:$0x3FB6] =	sst s10  }
0x35: {  	s10 =	sld [smem:$0x3FB5];
	_ =	sdelay $0x3  }
0x36: {  	p1 =	seq.s32 s10, $0x1;
	s10 =	sld [smem:$0x3FB6];
	_ =	sdelay $0x3  }
0x37: {  	[smem:$0x3FB6] =	sst s10  }
0x38: {  	s10 =	sld [smem:$0x3FB7]  }
0x39: {  	_ = 	snop;
	(pc) =	sbr.ind lr, $3  }
0x3a: {  	_ = 	snop  }
0x3b: {  	_ = 	snop  }
0x3c: {  	p2 =	seq.s32 s10, $0x1;
	s10 =	sld [smem:$0x3FB6]  }
0x3d: {  	_ =	shalt  }
0x3e: {  	_ =	shalt  }
0x3f: {  	_ =	shalt  }
0x40: {  	_ =	shalt  }
0x41: {  	_ =	shalt  }
0x42: {  	_ =	shalt  }
0x43: {  	_ =	shalt  }
0x44: {  	_ =	shalt  }
0x45: {  	_ =	shalt  }
0x46: {  	_ =	shalt  }
0x47: {  	_ =	shalt  }
0x48: {  	_ =	shalt  }
0x49: {  	_ =	shalt  }
0x4a: {  	_ =	shalt  }
0x4b: {  	_ =	shalt  }
0x4c: {  	_ =	shalt  }
0x4d: {  	_ =	shalt  }
0x4e: {  	_ =	shalt  }
0x4f: {  	_ =	shalt  }
0x50: {  	_ =	shalt  }
0x51: {  	_ =	shalt  }
0x52: {  	_ =	shalt  }
0x53: {  	_ =	shalt  }
0x54: {  	_ =	shalt  }
0x55: {  	_ =	shalt  }
0x56: {  	_ =	shalt  }
0x57: {  	_ =	shalt  }
0x58: {  	_ =	shalt  }
0x59: {  	_ =	shalt  }
0x5a: {  	_ =	shalt  }
0x5b: {  	_ =	shalt  }
0x5c: {  	_ =	shalt  }
0x5d: {  	_ =	shalt  }
0x5e: {  	_ =	shalt  }
0x5f: {  	_ =	shalt  }
0x60: {  	_ =	shalt  }
0x61: {  	_ =	shalt  }
0x62: {  	_ =	shalt  }
0x63: {  	_ =	shalt  }
0x64: {  	_ =	shalt  }
0x65: {  	_ =	shalt  }
0x66: {  	_ =	shalt  }
0x67: {  	_ =	shalt  }
0x68: {  	_ =	shalt  }
0x69: {  	_ =	shalt  }
0x6a: {  	_ =	shalt  }
0x6b: {  	_ =	shalt  }
0x6c: {  	_ =	shalt  }
0x6d: {  	_ =	shalt  }
0x6e: {  	_ =	shalt  }
0x6f: {  	_ =	shalt  }
0x70: {  	_ =	shalt  }
0x71: {  	_ =	shalt  }
0x72: {  	_ =	shalt  }
0x73: {  	_ =	shalt  }
0x74: {  	_ =	shalt  }
0x75: {  	_ =	shalt  }
0x76: {  	_ =	shalt  }
0x77: {  	_ =	shalt  }
0x78: {  	_ =	shalt  }
0x79: {  	_ =	shalt  }
0x7a: {  	_ =	shalt  }
0x7b: {  	_ =	shalt  }
0x7c: {  	_ =	shalt  }
0x7d: {  	_ =	shalt  }
0x7e: {  	_ =	shalt  }
0x7f: {  	_ =	shalt  }
0x80: {  	_ =	shalt  }
0x81: {  	_ =	shalt  }
0x82: {  	_ =	shalt  }
0x83: {  	_ =	shalt  }
0x84: {  	_ =	shalt  }
0x85: {  	_ =	shalt  }
0x86: {  	_ =	shalt  }
0x87: {  	_ =	shalt  }
.Lfunc_end0:
.L_simem_size_0:
called_computation_lowered:
.L_overlay_start_0:
0x88: {  	s2 =	sld [smem:$0x3FD9]  }
0x89: {  	s3 =	sld [smem:$0x3FFE];
	_ =	sdelay $0x1  }
0x8a: {  	s1 =	srdreg.scid  }
0x8b: {  	s0 =	sand.u32 $0x1, s1  }
0x8c: {  	s17 =	sshll.u32 s0, $0xA;
	s2 =	sadd.s32 s3, s2  }
0x8d: {  	s2 =	sadd.s32 s2, s17  }
0x8e: {  	[smem:$0x3FC2] =	sst s2  }
0x8f: {  	_ = 	snop  }
0x90: {  	s2 =	sld [smem:$0x3FD0];
	(tm) =	ssettm $0x1  }
0x91: {  	s18 =	sld [smem:$0x3FFB];
	_ =	sdelay $0x3  }
0x92: {  	_ =	strace s18  }
0x93: {  	s3 =	sld [smem:$0x3FFC];
	_ =	sdelay $0x3  }
0x94: {  	_ =	strace s3  }
0x95: {  	s3 =	sld [smem:$0x3FFD];
	_ =	sdelay $0x3  }
0x96: {  	_ =	strace s3  }
0x97: {  	_ =	strace $0x8FFFFFFF  }
0x98: {  	s19 =	sld [smem:$0x3FDB];
	_ =	sdelay $0x1  }
0x99: {  	s4 =	simm.s32 $_scs_section_size  }
0x9a: {  	s5 =	simm.s32 $_size__tile_overlayer_lowered;
	s6 =	simm.s32 $_tile_overlayer_lowered  }
0x9b: {  	s22 =	simm.s32 $0x1BFF;
	s21 =	sshll.u32 s6, $0x1;
	s3 =	sadd.s32 s4, s19  }
0x9c: {  	s7 =	simm.s32 $0x0;
	s20 =	sshll.u32 s5, $0x1;
	s5 =	sadd.s32 s21, s3  }
0x9d: {  	[timem:s7], [sflag:s22] =	dma.local [hbm:s5], s20  }
0x9e: {  	_ =	swait.ge [sflag:s22], s20  }
0x9f: {  	s4 =	ssub.s32 $0x0, s20;
	[sflag:s22] =	ssyncset.done $0x0  }
0xa0: {  	[sflag:s22] =	ssyncadd.s32 s4;
	_ =	sdelay $0x1  }
0xa1: {  	s23 =	simm.s32 $0x1B8B  }
0xa2: {  	_ =	swait.ge [sflag:s23], $0x1  }
0xa3: {  	[sflag:s23] =	ssyncset.done $0x0  }
0xa4: {  	s25 =	simm.s32 $0x1B8E;
	s24 =	sld [smem:$0x3FFE];
	[sflag:s23] =	ssyncadd.s32 $0xFFFFFFFF  }
0xa5: {  	s26 =	simm.s32 $execute0_lowered;
	[smem:$0x3FD2] =	sst s25  }
0xa6: {  	s5 =	sshll.u32 s26, $0x1;
	_ =	strace $0x80000046;
	[dreg:$0x1] =	wrdreg $0xFFFFFFFF  }
0xa7: {  	s28 =	simm.s32 $_size_execute0_lowered;
	s3 =	sadd.s32 s3, s5;
	[dreg:$0x0] =	wrdreg $0x0  }
0xa8: {  	s5 =	sshll.u32 s28, $0x1;
	[dreg:$0x2] =	wrdreg s3  }
0xa9: {  	[dreg:$0x3] =	wrdreg s5  }
0xaa: {  	[dreg:$0x4] =	wrdreg $0xC0  }
0xab: {  	_ =	task [dreg:s7], $0x5FFFF  }
0xac: {  	[dreg:$0x1] =	wrdreg $0xFFFFFFFF  }
0xad: {  	[dreg:$0x0] =	wrdreg $0x60  }
0xae: {  	[dreg:$0x2] =	wrdreg s24  }
0xaf: {  	[dreg:$0x3] =	wrdreg s2  }
0xb0: {  	[dreg:$0x4] =	wrdreg $0x9  }
0xb1: {  	_ =	task.clear_ibuf [dreg:s7], $0x5FFFF;
	_ =	strace $0x90000046  }
0xb2: {  	s29 =	simm.s32 $0x9;
	_ =	strace $0x80000048  }
0xb3: {  	_ =	swait.ge [sflag:s29], $0x1  }
0xb4: {  	[sflag:s29] =	ssyncadd.s32 $0xFFFFFFFF  }
0xb5: {  	_ =	strace $0x90000048  }
0xb6: {  	_ =	sfence  }
0xb7: {  	s30 =	sld [smem:$0x0];
	_ =	sdelay $0x2  }
0xb8: {  	s31 =	sshll.u32 s1, $0xD;
	s1 =	sshrl.u32 s1, $0x2  }
0xb9: {  	s3 =	sand.u32 $0x4000, s31;
	s1 =	sadd.s32 s1, s30  }
0xba: {  	s0 =	sor.u32 s3, s0;
	s1 =	sshll.u32 s1, $0x11  }
0xbb: {  	s0 =	sor.u32 s1, s0  }
0xbc: {  	s0 =	sadd.s32 $0x8F2B, s0  }
0xbd: {  	[sflag:s0] =	ssyncadd.remote.s32 $0x1  }
0xbe: {  	_ =	sfence.sel $0xFFFF  }
0xbf: {  	[dreg:$0x0] =	wrdreg $0xFFFFFFFF;
	(pc) =	sbr.abs _section_cstart, $3  }
0xc0: {  	[dreg:$0x1] =	wrdreg $0xFFFFFFFF  }
0xc1: {  	_ =	task.clear_ibuf [dreg:s7], $0x2FFFF;
	_ =	strace $0x9FFFFFFF  }
0xc2: {  	(tm) =	ssettm $0x7FFFFFFF  }
0xc3: {  	_ =	shalt  }
tec
execute0_lowered:
.L_overlay_start_1:
0x0: {  	(tag) =	ssettag $0x1  }
0x1: {  	s0 =	srdreg.scid  }
0x2: {  	s2 =	stileid.u32;
	s0 =	sand.u32 $0x1, s0  }
0x3: {  	s1 =	rddreg [dreg:$0x0];
	s2 =	sshll.u32 s2, $0x8;
	s3 =	sshll.u32 s0, $0x7  }
0x4: {  	s4 =	rddreg [dreg:$0x1];
	s3 =	sor.u32 s3, s2  }
0x5: {  	s2 =	simm.s32 $0x0;
	s5 =	smul.u32 $0x300, s3;
	s6 =	sadd.s32 s3, s1  }
0x6: {  	[smem:$0x7FF] =	sst s2;
	s6 =	sadd.s32 $0x600, s6  }
0x7: {  	_ =	strace $0x80000047;
	s7 =	sadd.s32 s4, s5;
	[dreg:$0x3] =	wrdreg s6  }
0x8: {  	s5 =	sadd.s32 $0x1800, s7;
	[dreg:$0x13] =	wrdreg s7  }
0x9: {  	s3 =	smul.u32 $0x1800, s3;
	s18 =	sadd.s32 $0x3000, s7;
	[dreg:$0x4] =	wrdreg s5  }
0xa: {  	s19 =	sadd.s32 $0x4800, s7;
	[dreg:$0x5] =	wrdreg s18  }
0xb: {  	s3 =	sshrl.u32 s3, $0x3;
	s20 =	sadd.s32 $0x6000, s7;
	[dreg:$0x6] =	wrdreg s19  }
0xc: {  	s21 =	sadd.s32 $0x7800, s7;
	s3 =	sadd.s32 s4, s3;
	[dreg:$0x7] =	wrdreg s20  }
0xd: {  	[dreg:$0x8] =	wrdreg s21;
	s4 =	sadd.s32 $0x9000, s3  }
0xe: {  	s12 =	simm.s32 $0x400;
	s22 =	sadd.s32 $0xA800, s3;
	[dreg:$0x9] =	wrdreg s4  }
0xf: {  	s8 =	simm.s32 $0xC400;
	s23 =	sadd.s32 $0xC000, s3;
	[dreg:$0xa] =	wrdreg s22  }
0x10: {  	s10 =	simm.s32 $0x2;
	s24 =	sadd.s32 $0xD800, s3;
	[dreg:$0xb] =	wrdreg s23  }
0x11: {  	s0 =	ssub.s32 $0x2, s0;
	s25 =	sadd.s32 $0xF000, s3;
	[dreg:$0xc] =	wrdreg s24  }
0x12: {  	s29 =	sshrl.u32 s0, $0x1;
	s26 =	sadd.s32 $0x10800, s3;
	[dreg:$0xd] =	wrdreg s25  }
0x13: {  	s0 =	ssub.s32 s0, s29;
	s28 =	sadd.s32 $0x12000, s3;
	[dreg:$0xe] =	wrdreg s26  }
0x14: {  	s0 =	smax.u32 s0, $0x1;
	s30 =	sadd.s32 $0x13800, s3;
	[dreg:$0xf] =	wrdreg s28  }
0x15: {  	v2 =	vlaneseq.u32;
	s6 =	sadd.s32 $0x1800, s1;
	s31 =	sadd.s32 $0x15000, s3;
	[dreg:$0x10] =	wrdreg s30  }
0x16: {  	vm0 =	vmmov $0xffff;
	v1 =	vshrl.u32 v2, $0x3;
	s5 =	sadd.s32 $0x1700, s1;
	s3 =	sadd.s32 $0x16800, s3;
	[dreg:$0x11] =	wrdreg s31  }
0x17: {  	v0 =	vand.u32 $0x7, v2;
	v2 =	vor.u32 $0x8, v2;
	v1 =	vmul.u32 $0x8, v1;
	s4 =	sadd.s32 $0x1600, s1;
	[dreg:$0x12] =	wrdreg s3;
	s3 =	simm.s32 $0x1  }
.LBB2_1:
0x18: {  	[dreg:$0x14] =	wrdreg s0  }
0x19: {  	s11 =	rddreg [dreg:$0x3];
	s26 =	simm.s32 $0x3  }
0x1a: {  	[tilespmem:s2], [sflag:$0x3] =	stream.linear.gather [hbm4b:s11+s2], $0x400, $0x38;
	[tilespmem:$0x18400] =	vst v63  }
0x1b: {  	_ =	swait.ge [sflag:s26], $0x400  }
0x1c: {  	[sflag:s26] =	ssyncset.done $0x0  }
0x1d: {  	[sflag:s26] =	ssyncadd.s32 $0xFFFFFC00  }
0x1e: {  	v3 =	vld [tilespmem:$0x0];
	_ =	sdelay $0x4  }
0x1f: {  	v4 =	vshrl.u32 v3, $0x3  }
0x20: {  	v4 =	vmul.u32 $0x30, v4  }
0x21: {  	v3 =	vand.u32 $0x7, v3  }
0x22: {  	v3 =	vor.u32 v3, v4  }
0x23: {  	v4 =	vperm.xlane v3, v0;
	_ =	sdelay $0x1  }
0x24: {  	v4 =	vadd.s32 v1, v4;
	_ =	sdelay $0x3  }
0x25: {  	v3 =	vperm.xlane v3, v2  }
0x26: {  	[tilespmem:s12], [sflag:$0x1] =	stream.indirect_vreg.gather [hbm4b:s4+s2], $0x80, v4, vm0, $0xb8;
	[tilespmem:$0x18400] =	vst v63  }
0x27: {  	s28 =	simm.s32 $0xC00;
	v3 =	vadd.s32 v1, v3  }
0x28: {  	[tilespmem:s28], [sflag:$0x1] =	stream.indirect_vreg.gather [hbm4b:s5+s2], $0x80, v4, vm0, $0xb8;
	[tilespmem:$0x18400] =	vst v63  }
0x29: {  	s29 =	simm.s32 $0x1400  }
0x2a: {  	[tilespmem:s29], [sflag:$0x1] =	stream.indirect_vreg.gather [hbm4b:s6+s2], $0x80, v4, vm0, $0xb8;
	[tilespmem:$0x18400] =	vst v63  }
0x2b: {  	s30 =	simm.s32 $0x1C00  }
0x2c: {  	[tilespmem:s30], [sflag:$0x1] =	stream.indirect_vreg.gather [hbm4b:s4+s2], $0x80, v3, vm0, $0xb8;
	[tilespmem:$0x18400] =	vst v63  }
0x2d: {  	s31 =	simm.s32 $0x2400  }
0x2e: {  	[tilespmem:s31], [sflag:$0x1] =	stream.indirect_vreg.gather [hbm4b:s5+s2], $0x80, v3, vm0, $0xb8;
	[tilespmem:$0x18400] =	vst v63  }
0x2f: {  	s1 =	simm.s32 $0x2C00  }
0x30: {  	[tilespmem:s1], [sflag:$0x1] =	stream.indirect_vreg.gather [hbm4b:s6+s2], $0x80, v3, vm0, $0xb8;
	[tilespmem:$0x18400] =	vst v63  }
0x31: {  	v3 =	vld [tilespmem:$0x10];
	_ =	sdelay $0x4  }
0x32: {  	v57 =	vshrl.u32 v3, $0x3  }
0x33: {  	v4 =	vmul.u32 $0x30, v57  }
0x34: {  	v3 =	vand.u32 $0x7, v3  }
0x35: {  	v3 =	vor.u32 v3, v4  }
0x36: {  	v4 =	vperm.xlane v3, v0;
	_ =	sdelay $0x1  }
0x37: {  	v4 =	vadd.s32 v1, v4;
	_ =	sdelay $0x3  }
0x38: {  	s7 =	simm.s32 $0x3400;
	v3 =	vperm.xlane v3, v2  }
0x39: {  	[tilespmem:s7], [sflag:$0x1] =	stream.indirect_vreg.gather [hbm4b:s4+s2], $0x80, v4, vm0, $0xb8;
	[tilespmem:$0x18400] =	vst v63  }
0x3a: {  	s9 =	simm.s32 $0x3C00;
	v3 =	vadd.s32 v1, v3  }
0x3b: {  	[tilespmem:s9], [sflag:$0x1] =	stream.indirect_vreg.gather [hbm4b:s5+s2], $0x80, v4, vm0, $0xb8;
	[tilespmem:$0x18400] =	vst v63  }
0x3c: {  	s11 =	simm.s32 $0x4400  }
0x3d: {  	[tilespmem:s11], [sflag:$0x1] =	stream.indirect_vreg.gather [hbm4b:s6+s2], $0x80, v4, vm0, $0xb8;
	[tilespmem:$0x18400] =	vst v63  }
0x3e: {  	s15 =	simm.s32 $0x4C00  }
0x3f: {  	[tilespmem:s15], [sflag:$0x1] =	stream.indirect_vreg.gather [hbm4b:s4+s2], $0x80, v3, vm0, $0xb8;
	[tilespmem:$0x18400] =	vst v63  }
0x40: {  	s16 =	simm.s32 $0x5400  }
0x41: {  	[tilespmem:s16], [sflag:$0x1] =	stream.indirect_vreg.gather [hbm4b:s5+s2], $0x80, v3, vm0, $0xb8;
	[tilespmem:$0x18400] =	vst v63  }
0x42: {  	s17 =	simm.s32 $0x5C00  }
0x43: {  	[tilespmem:s17], [sflag:$0x1] =	stream.indirect_vreg.gather [hbm4b:s6+s2], $0x80, v3, vm0, $0xb8;
	[tilespmem:$0x18400] =	vst v63  }
0x44: {  	v3 =	vld [tilespmem:$0x20];
	_ =	sdelay $0x4  }
0x45: {  	v58 =	vshrl.u32 v3, $0x3  }
0x46: {  	v4 =	vmul.u32 $0x30, v58  }
0x47: {  	v3 =	vand.u32 $0x7, v3  }
0x48: {  	v3 =	vor.u32 v3, v4  }
0x49: {  	v4 =	vperm.xlane v3, v0;
	_ =	sdelay $0x1  }
0x4a: {  	v4 =	vadd.s32 v1, v4;
	_ =	sdelay $0x3  }
0x4b: {  	s18 =	simm.s32 $0x6400;
	v3 =	vperm.xlane v3, v2  }
0x4c: {  	[tilespmem:s18], [sflag:$0x1] =	stream.indirect_vreg.gather [hbm4b:s4+s2], $0x80, v4, vm0, $0xb8;
	[tilespmem:$0x18400] =	vst v63  }
0x4d: {  	s19 =	simm.s32 $0x6C00;
	v3 =	vadd.s32 v1, v3  }
0x4e: {  	[tilespmem:s19], [sflag:$0x1] =	stream.indirect_vreg.gather [hbm4b:s5+s2], $0x80, v4, vm0, $0xb8;
	[tilespmem:$0x18400] =	vst v63  }
0x4f: {  	s20 =	simm.s32 $0x7400  }
0x50: {  	[tilespmem:s20], [sflag:$0x1] =	stream.indirect_vreg.gather [hbm4b:s6+s2], $0x80, v4, vm0, $0xb8;
	[tilespmem:$0x18400] =	vst v63  }
0x51: {  	s21 =	simm.s32 $0x7C00  }
0x52: {  	[tilespmem:s21], [sflag:$0x1] =	stream.indirect_vreg.gather [hbm4b:s4+s2], $0x80, v3, vm0, $0xb8;
	[tilespmem:$0x18400] =	vst v63  }
0x53: {  	s22 =	simm.s32 $0x8400  }
0x54: {  	[tilespmem:s22], [sflag:$0x1] =	stream.indirect_vreg.gather [hbm4b:s5+s2], $0x80, v3, vm0, $0xb8;
	[tilespmem:$0x18400] =	vst v63  }
0x55: {  	s23 =	simm.s32 $0x8C00  }
0x56: {  	[tilespmem:s23], [sflag:$0x1] =	stream.indirect_vreg.gather [hbm4b:s6+s2], $0x80, v3, vm0, $0xb8;
	[tilespmem:$0x18400] =	vst v63  }
0x57: {  	v3 =	vld [tilespmem:$0x30];
	_ =	sdelay $0x4  }
0x58: {  	v59 =	vshrl.u32 v3, $0x3  }
0x59: {  	v4 =	vmul.u32 $0x30, v59  }
0x5a: {  	v3 =	vand.u32 $0x7, v3  }
0x5b: {  	v3 =	vor.u32 v3, v4  }
0x5c: {  	v4 =	vperm.xlane v3, v0;
	_ =	sdelay $0x1  }
0x5d: {  	v4 =	vadd.s32 v1, v4;
	_ =	sdelay $0x3  }
0x5e: {  	s24 =	simm.s32 $0x9400;
	v3 =	vperm.xlane v3, v2  }
0x5f: {  	[tilespmem:s24], [sflag:$0x1] =	stream.indirect_vreg.gather [hbm4b:s4+s2], $0x80, v4, vm0, $0xb8;
	[tilespmem:$0x18400] =	vst v63  }
0x60: {  	s25 =	simm.s32 $0x9C00;
	v3 =	vadd.s32 v1, v3  }
0x61: {  	[tilespmem:s25], [sflag:$0x1] =	stream.indirect_vreg.gather [hbm4b:s5+s2], $0x80, v4, vm0, $0xb8;
	[tilespmem:$0x18400] =	vst v63  }
0x62: {  	s26 =	simm.s32 $0xA400  }
0x63: {  	[tilespmem:s26], [sflag:$0x1] =	stream.indirect_vreg.gather [hbm4b:s6+s2], $0x80, v4, vm0, $0xb8;
	[tilespmem:$0x18400] =	vst v63  }
0x64: {  	s28 =	simm.s32 $0xAC00  }
0x65: {  	[tilespmem:s28], [sflag:$0x1] =	stream.indirect_vreg.gather [hbm4b:s4+s2], $0x80, v3, vm0, $0xb8;
	[tilespmem:$0x18400] =	vst v63  }
0x66: {  	s29 =	simm.s32 $0xB400  }
0x67: {  	[tilespmem:s29], [sflag:$0x1] =	stream.indirect_vreg.gather [hbm4b:s5+s2], $0x80, v3, vm0, $0xb8;
	[tilespmem:$0x18400] =	vst v63  }
0x68: {  	s30 =	simm.s32 $0xBC00  }
0x69: {  	[tilespmem:s30], [sflag:$0x1] =	stream.indirect_vreg.gather [hbm4b:s6+s2], $0x80, v3, vm0, $0xb8;
	[tilespmem:$0x18400] =	vst v63  }
0x6a: {  	_ =	swait.ge [sflag:s3], $0xC000  }
0x6b: {  	[sflag:s3] =	ssyncset.done $0x0  }
0x6c: {  	s31 =	rddreg [dreg:$0x13];
	[sflag:s3] =	ssyncadd.s32 $0xFFFF4000  }
0x6d: {  	[hbm4b:s31+s2] =	stream.linear.scatter [tilespmem:s12], [sflag:$0x2], $0xC000, $0x38;
	[tilespmem:$0x18400] =	vst v63  }
0x6e: {  	v3 =	vld [tilespmem:$0x40];
	_ =	sdelay $0x4  }
0x6f: {  	v60 =	vshrl.u32 v3, $0x3  }
0x70: {  	v4 =	vmul.u32 $0x30, v60  }
0x71: {  	v3 =	vand.u32 $0x7, v3  }
0x72: {  	v3 =	vor.u32 v3, v4  }
0x73: {  	v4 =	vperm.xlane v3, v0;
	_ =	sdelay $0x1  }
0x74: {  	v4 =	vadd.s32 v1, v4;
	_ =	sdelay $0x3  }
0x75: {  	v3 =	vperm.xlane v3, v2  }
0x76: {  	[tilespmem:s8], [sflag:$0x1] =	stream.indirect_vreg.gather [hbm4b:s4+s2], $0x80, v4, vm0, $0xb8;
	[tilespmem:$0x18400] =	vst v63  }
0x77: {  	s0 =	simm.s32 $0xCC00;
	v3 =	vadd.s32 v1, v3  }
0x78: {  	[tilespmem:s0], [sflag:$0x1] =	stream.indirect_vreg.gather [hbm4b:s5+s2], $0x80, v4, vm0, $0xb8;
	[tilespmem:$0x18400] =	vst v63  }
0x79: {  	s1 =	simm.s32 $0xD400  }
0x7a: {  	[tilespmem:s1], [sflag:$0x1] =	stream.indirect_vreg.gather [hbm4b:s6+s2], $0x80, v4, vm0, $0xb8;
	[tilespmem:$0x18400] =	vst v63  }
0x7b: {  	s7 =	simm.s32 $0xDC00  }
0x7c: {  	[tilespmem:s7], [sflag:$0x1] =	stream.indirect_vreg.gather [hbm4b:s4+s2], $0x80, v3, vm0, $0xb8;
	[tilespmem:$0x18400] =	vst v63  }
0x7d: {  	s9 =	simm.s32 $0xE400  }
0x7e: {  	[tilespmem:s9], [sflag:$0x1] =	stream.indirect_vreg.gather [hbm4b:s5+s2], $0x80, v3, vm0, $0xb8;
	[tilespmem:$0x18400] =	vst v63  }
0x7f: {  	s15 =	simm.s32 $0xEC00  }
0x80: {  	[tilespmem:s15], [sflag:$0x1] =	stream.indirect_vreg.gather [hbm4b:s6+s2], $0x80, v3, vm0, $0xb8;
	[tilespmem:$0x18400] =	vst v63  }
0x81: {  	v3 =	vld [tilespmem:$0x50];
	_ =	sdelay $0x4  }
0x82: {  	v61 =	vshrl.u32 v3, $0x3  }
0x83: {  	v4 =	vmul.u32 $0x30, v61  }
0x84: {  	v3 =	vand.u32 $0x7, v3  }
0x85: {  	v3 =	vor.u32 v3, v4  }
0x86: {  	v4 =	vperm.xlane v3, v0;
	_ =	sdelay $0x1  }
0x87: {  	v4 =	vadd.s32 v1, v4;
	_ =	sdelay $0x3  }
0x88: {  	s16 =	simm.s32 $0xF400;
	v3 =	vperm.xlane v3, v2  }
0x89: {  	[tilespmem:s16], [sflag:$0x1] =	stream.indirect_vreg.gather [hbm4b:s4+s2], $0x80, v4, vm0, $0xb8;
	[tilespmem:$0x18400] =	vst v63  }
0x8a: {  	s19 =	simm.s32 $0xFC00;
	v3 =	vadd.s32 v1, v3  }
0x8b: {  	[tilespmem:s19], [sflag:$0x1] =	stream.indirect_vreg.gather [hbm4b:s5+s2], $0x80, v4, vm0, $0xb8;
	[tilespmem:$0x18400] =	vst v63  }
0x8c: {  	s20 =	simm.s32 $0x10400  }
0x8d: {  	[tilespmem:s20], [sflag:$0x1] =	stream.indirect_vreg.gather [hbm4b:s6+s2], $0x80, v4, vm0, $0xb8;
	[tilespmem:$0x18400] =	vst v63  }
0x8e: {  	s23 =	simm.s32 $0x10C00  }
0x8f: {  	[tilespmem:s23], [sflag:$0x1] =	stream.indirect_vreg.gather [hbm4b:s4+s2], $0x80, v3, vm0, $0xb8;
	[tilespmem:$0x18400] =	vst v63  }
0x90: {  	s24 =	simm.s32 $0x11400  }
0x91: {  	[tilespmem:s24], [sflag:$0x1] =	stream.indirect_vreg.gather [hbm4b:s5+s2], $0x80, v3, vm0, $0xb8;
	[tilespmem:$0x18400] =	vst v63  }
0x92: {  	s28 =	simm.s32 $0x11C00  }
0x93: {  	[tilespmem:s28], [sflag:$0x1] =	stream.indirect_vreg.gather [hbm4b:s6+s2], $0x80, v3, vm0, $0xb8;
	[tilespmem:$0x18400] =	vst v63  }
0x94: {  	v3 =	vld [tilespmem:$0x60];
	_ =	sdelay $0x4  }
0x95: {  	v62 =	vshrl.u32 v3, $0x3  }
0x96: {  	v4 =	vmul.u32 $0x30, v62  }
0x97: {  	v3 =	vand.u32 $0x7, v3  }
0x98: {  	v3 =	vor.u32 v3, v4  }
0x99: {  	v4 =	vperm.xlane v3, v0;
	_ =	sdelay $0x1  }
0x9a: {  	v4 =	vadd.s32 v1, v4;
	_ =	sdelay $0x3  }
0x9b: {  	s29 =	simm.s32 $0x12400;
	v3 =	vperm.xlane v3, v2  }
0x9c: {  	[tilespmem:s29], [sflag:$0x1] =	stream.indirect_vreg.gather [hbm4b:s4+s2], $0x80, v4, vm0, $0xb8;
	[tilespmem:$0x18400] =	vst v63  }
0x9d: {  	s30 =	simm.s32 $0x12C00;
	v3 =	vadd.s32 v1, v3  }
0x9e: {  	[tilespmem:s30], [sflag:$0x1] =	stream.indirect_vreg.gather [hbm4b:s5+s2], $0x80, v4, vm0, $0xb8;
	[tilespmem:$0x18400] =	vst v63  }
0x9f: {  	s31 =	simm.s32 $0x13400  }
0xa0: {  	[tilespmem:s31], [sflag:$0x1] =	stream.indirect_vreg.gather [hbm4b:s6+s2], $0x80, v4, vm0, $0xb8;
	[tilespmem:$0x18400] =	vst v63  }
0xa1: {  	s0 =	simm.s32 $0x13C00  }
0xa2: {  	[tilespmem:s0], [sflag:$0x1] =	stream.indirect_vreg.gather [hbm4b:s4+s2], $0x80, v3, vm0, $0xb8;
	[tilespmem:$0x18400] =	vst v63  }
0xa3: {  	s1 =	simm.s32 $0x14400  }
0xa4: {  	[tilespmem:s1], [sflag:$0x1] =	stream.indirect_vreg.gather [hbm4b:s5+s2], $0x80, v3, vm0, $0xb8;
	[tilespmem:$0x18400] =	vst v63  }
0xa5: {  	s7 =	simm.s32 $0x14C00  }
0xa6: {  	[tilespmem:s7], [sflag:$0x1] =	stream.indirect_vreg.gather [hbm4b:s6+s2], $0x80, v3, vm0, $0xb8;
	[tilespmem:$0x18400] =	vst v63  }
0xa7: {  	v3 =	vld [tilespmem:$0x70];
	_ =	sdelay $0x4  }
0xa8: {  	v63 =	vshrl.u32 v3, $0x3  }
0xa9: {  	v4 =	vmul.u32 $0x30, v63  }
0xaa: {  	v3 =	vand.u32 $0x7, v3  }
0xab: {  	v3 =	vor.u32 v3, v4  }
0xac: {  	v4 =	vperm.xlane v3, v0;
	_ =	sdelay $0x1  }
0xad: {  	v4 =	vadd.s32 v1, v4;
	_ =	sdelay $0x3  }
0xae: {  	s9 =	simm.s32 $0x15400;
	v3 =	vperm.xlane v3, v2  }
0xaf: {  	[tilespmem:s9], [sflag:$0x1] =	stream.indirect_vreg.gather [hbm4b:s4+s2], $0x80, v4, vm0, $0xb8;
	[tilespmem:$0x18400] =	vst v63  }
0xb0: {  	s15 =	simm.s32 $0x15C00;
	v3 =	vadd.s32 v1, v3  }
0xb1: {  	[tilespmem:s15], [sflag:$0x1] =	stream.indirect_vreg.gather [hbm4b:s5+s2], $0x80, v4, vm0, $0xb8;
	[tilespmem:$0x18400] =	vst v63  }
0xb2: {  	s16 =	simm.s32 $0x16400  }
0xb3: {  	[tilespmem:s16], [sflag:$0x1] =	stream.indirect_vreg.gather [hbm4b:s6+s2], $0x80, v4, vm0, $0xb8;
	[tilespmem:$0x18400] =	vst v63  }
0xb4: {  	s19 =	simm.s32 $0x16C00  }
0xb5: {  	[tilespmem:s19], [sflag:$0x1] =	stream.indirect_vreg.gather [hbm4b:s4+s2], $0x80, v3, vm0, $0xb8;
	[tilespmem:$0x18400] =	vst v63  }
0xb6: {  	s20 =	simm.s32 $0x17400  }
0xb7: {  	[tilespmem:s20], [sflag:$0x1] =	stream.indirect_vreg.gather [hbm4b:s5+s2], $0x80, v3, vm0, $0xb8;
	[tilespmem:$0x18400] =	vst v63  }
0xb8: {  	s23 =	simm.s32 $0x17C00  }
0xb9: {  	[tilespmem:s23], [sflag:$0x1] =	stream.indirect_vreg.gather [hbm4b:s6+s2], $0x80, v3, vm0, $0xb8;
	[tilespmem:$0x18400] =	vst v63  }
0xba: {  	_ =	swait.ge [sflag:s3], $0xC000  }
0xbb: {  	[sflag:s3] =	ssyncset.done $0x0  }
0xbc: {  	s24 =	rddreg [dreg:$0x4];
	[sflag:s3] =	ssyncadd.s32 $0xFFFF4000  }
0xbd: {  	[hbm4b:s24+s2] =	stream.linear.scatter [tilespmem:s8], [sflag:$0x2], $0xC000, $0x38;
	[tilespmem:$0x18400] =	vst v63  }
0xbe: {  	_ =	swait.ge [sflag:s10], $0xC000  }
0xbf: {  	[sflag:s10] =	ssyncset.done $0x0  }
0xc0: {  	[sflag:s10] =	ssyncadd.s32 $0xFFFF4000  }
0xc1: {  	v3 =	vld [tilespmem:$0x80];
	_ =	sdelay $0x4  }
0xc2: {  	v8 =	vshrl.u32 v3, $0x3  }
0xc3: {  	v4 =	vmul.u32 $0x30, v8  }
0xc4: {  	v3 =	vand.u32 $0x7, v3  }
0xc5: {  	v3 =	vor.u32 v3, v4  }
0xc6: {  	v4 =	vperm.xlane v3, v0;
	_ =	sdelay $0x1  }
0xc7: {  	v4 =	vadd.s32 v1, v4;
	_ =	sdelay $0x3  }
0xc8: {  	v3 =	vperm.xlane v3, v2  }
0xc9: {  	[tilespmem:s12], [sflag:$0x1] =	stream.indirect_vreg.gather [hbm4b:s4+s2], $0x80, v4, vm0, $0xb8;
	[tilespmem:$0x18400] =	vst v63  }
0xca: {  	s0 =	simm.s32 $0xC00;
	v3 =	vadd.s32 v1, v3  }
0xcb: {  	[tilespmem:s0], [sflag:$0x1] =	stream.indirect_vreg.gather [hbm4b:s5+s2], $0x80, v4, vm0, $0xb8;
	[tilespmem:$0x18400] =	vst v63  }
0xcc: {  	s1 =	simm.s32 $0x1400  }
0xcd: {  	[tilespmem:s1], [sflag:$0x1] =	stream.indirect_vreg.gather [hbm4b:s6+s2], $0x80, v4, vm0, $0xb8;
	[tilespmem:$0x18400] =	vst v63  }
0xce: {  	s7 =	simm.s32 $0x1C00  }
0xcf: {  	[tilespmem:s7], [sflag:$0x1] =	stream.indirect_vreg.gather [hbm4b:s4+s2], $0x80, v3, vm0, $0xb8;
	[tilespmem:$0x18400] =	vst v63  }
0xd0: {  	s9 =	simm.s32 $0x2400  }
0xd1: {  	[tilespmem:s9], [sflag:$0x1] =	stream.indirect_vreg.gather [hbm4b:s5+s2], $0x80, v3, vm0, $0xb8;
	[tilespmem:$0x18400] =	vst v63  }
0xd2: {  	s13 =	simm.s32 $0x2C00  }
0xd3: {  	[tilespmem:s13], [sflag:$0x1] =	stream.indirect_vreg.gather [hbm4b:s6+s2], $0x80, v3, vm0, $0xb8;
	[tilespmem:$0x18400] =	vst v63  }
0xd4: {  	v3 =	vld [tilespmem:$0x90];
	_ =	sdelay $0x4  }
0xd5: {  	v9 =	vshrl.u32 v3, $0x3  }
0xd6: {  	v4 =	vmul.u32 $0x30, v9  }
0xd7: {  	v3 =	vand.u32 $0x7, v3  }
0xd8: {  	v3 =	vor.u32 v3, v4  }
0xd9: {  	v4 =	vperm.xlane v3, v0;
	_ =	sdelay $0x1  }
0xda: {  	v4 =	vadd.s32 v1, v4;
	_ =	sdelay $0x3  }
0xdb: {  	s14 =	simm.s32 $0x3400;
	v3 =	vperm.xlane v3, v2  }
0xdc: {  	[tilespmem:s14], [sflag:$0x1] =	stream.indirect_vreg.gather [hbm4b:s4+s2], $0x80, v4, vm0, $0xb8;
	[tilespmem:$0x18400] =	vst v63  }
0xdd: {  	s13 =	simm.s32 $0x3C00;
	v3 =	vadd.s32 v1, v3  }
0xde: {  	[tilespmem:s13], [sflag:$0x1] =	stream.indirect_vreg.gather [hbm4b:s5+s2], $0x80, v4, vm0, $0xb8;
	[tilespmem:$0x18400] =	vst v63  }
0xdf: {  	s14 =	simm.s32 $0x4400  }
0xe0: {  	[tilespmem:s14], [sflag:$0x1] =	stream.indirect_vreg.gather [hbm4b:s6+s2], $0x80, v4, vm0, $0xb8;
	[tilespmem:$0x18400] =	vst v63  }
0xe1: {  	s15 =	simm.s32 $0x4C00  }
0xe2: {  	[tilespmem:s15], [sflag:$0x1] =	stream.indirect_vreg.gather [hbm4b:s4+s2], $0x80, v3, vm0, $0xb8;
	[tilespmem:$0x18400] =	vst v63  }
0xe3: {  	s16 =	simm.s32 $0x5400  }
0xe4: {  	[tilespmem:s16], [sflag:$0x1] =	stream.indirect_vreg.gather [hbm4b:s5+s2], $0x80, v3, vm0, $0xb8;
	[tilespmem:$0x18400] =	vst v63  }
0xe5: {  	s17 =	simm.s32 $0x5C00  }
0xe6: {  	[tilespmem:s17], [sflag:$0x1] =	stream.indirect_vreg.gather [hbm4b:s6+s2], $0x80, v3, vm0, $0xb8;
	[tilespmem:$0x18400] =	vst v63  }
0xe7: {  	v3 =	vld [tilespmem:$0xA0];
	_ =	sdelay $0x4  }
0xe8: {  	v10 =	vshrl.u32 v3, $0x3  }
0xe9: {  	v4 =	vmul.u32 $0x30, v10  }
0xea: {  	v3 =	vand.u32 $0x7, v3  }
0xeb: {  	v3 =	vor.u32 v3, v4  }
0xec: {  	v4 =	vperm.xlane v3, v0;
	_ =	sdelay $0x1  }
0xed: {  	v4 =	vadd.s32 v1, v4;
	_ =	sdelay $0x3  }
0xee: {  	s18 =	simm.s32 $0x6400;
	v3 =	vperm.xlane v3, v2  }
0xef: {  	[tilespmem:s18], [sflag:$0x1] =	stream.indirect_vreg.gather [hbm4b:s4+s2], $0x80, v4, vm0, $0xb8;
	[tilespmem:$0x18400] =	vst v63  }
0xf0: {  	s17 =	simm.s32 $0x6C00;
	v3 =	vadd.s32 v1, v3  }
0xf1: {  	[tilespmem:s17], [sflag:$0x1] =	stream.indirect_vreg.gather [hbm4b:s5+s2], $0x80, v4, vm0, $0xb8;
	[tilespmem:$0x18400] =	vst v63  }
0xf2: {  	s18 =	simm.s32 $0x7400  }
0xf3: {  	[tilespmem:s18], [sflag:$0x1] =	stream.indirect_vreg.gather [hbm4b:s6+s2], $0x80, v4, vm0, $0xb8;
	[tilespmem:$0x18400] =	vst v63  }
0xf4: {  	s19 =	simm.s32 $0x7C00  }
0xf5: {  	[tilespmem:s19], [sflag:$0x1] =	stream.indirect_vreg.gather [hbm4b:s4+s2], $0x80, v3, vm0, $0xb8;
	[tilespmem:$0x18400] =	vst v63  }
0xf6: {  	s20 =	simm.s32 $0x8400  }
0xf7: {  	[tilespmem:s20], [sflag:$0x1] =	stream.indirect_vreg.gather [hbm4b:s5+s2], $0x80, v3, vm0, $0xb8;
	[tilespmem:$0x18400] =	vst v63  }
0xf8: {  	s21 =	simm.s32 $0x8C00  }
0xf9: {  	[tilespmem:s21], [sflag:$0x1] =	stream.indirect_vreg.gather [hbm4b:s6+s2], $0x80, v3, vm0, $0xb8;
	[tilespmem:$0x18400] =	vst v63  }
0xfa: {  	v3 =	vld [tilespmem:$0xB0];
	_ =	sdelay $0x4  }
0xfb: {  	v11 =	vshrl.u32 v3, $0x3  }
0xfc: {  	v4 =	vmul.u32 $0x30, v11  }
0xfd: {  	v3 =	vand.u32 $0x7, v3  }
0xfe: {  	v3 =	vor.u32 v3, v4  }
0xff: {  	v4 =	vperm.xlane v3, v0;
	_ =	sdelay $0x1  }
0x100: {  	v4 =	vadd.s32 v1, v4;
	_ =	sdelay $0x3  }
0x101: {  	s22 =	simm.s32 $0x9400;
	v3 =	vperm.xlane v3, v2  }
0x102: {  	[tilespmem:s22], [sflag:$0x1] =	stream.indirect_vreg.gather [hbm4b:s4+s2], $0x80, v4, vm0, $0xb8;
	[tilespmem:$0x18400] =	vst v63  }
0x103: {  	s21 =	simm.s32 $0x9C00;
	v3 =	vadd.s32 v1, v3  }
0x104: {  	[tilespmem:s21], [sflag:$0x1] =	stream.indirect_vreg.gather [hbm4b:s5+s2], $0x80, v4, vm0, $0xb8;
	[tilespmem:$0x18400] =	vst v63  }
0x105: {  	s22 =	simm.s32 $0xA400  }
0x106: {  	[tilespmem:s22], [sflag:$0x1] =	stream.indirect_vreg.gather [hbm4b:s6+s2], $0x80, v4, vm0, $0xb8;
	[tilespmem:$0x18400] =	vst v63  }
0x107: {  	s23 =	simm.s32 $0xAC00  }
0x108: {  	[tilespmem:s23], [sflag:$0x1] =	stream.indirect_vreg.gather [hbm4b:s4+s2], $0x80, v3, vm0, $0xb8;
	[tilespmem:$0x18400] =	vst v63  }
0x109: {  	s24 =	simm.s32 $0xB400  }
0x10a: {  	[tilespmem:s24], [sflag:$0x1] =	stream.indirect_vreg.gather [hbm4b:s5+s2], $0x80, v3, vm0, $0xb8;
	[tilespmem:$0x18400] =	vst v63  }
0x10b: {  	s25 =	simm.s32 $0xBC00  }
0x10c: {  	[tilespmem:s25], [sflag:$0x1] =	stream.indirect_vreg.gather [hbm4b:s6+s2], $0x80, v3, vm0, $0xb8;
	[tilespmem:$0x18400] =	vst v63  }
0x10d: {  	_ =	swait.ge [sflag:s3], $0xC000  }
0x10e: {  	[sflag:s3] =	ssyncset.done $0x0  }
0x10f: {  	s25 =	rddreg [dreg:$0x5];
	[sflag:s3] =	ssyncadd.s32 $0xFFFF4000  }
0x110: {  	[hbm4b:s25+s2] =	stream.linear.scatter [tilespmem:s12], [sflag:$0x2], $0xC000, $0x38;
	[tilespmem:$0x18400] =	vst v63  }
0x111: {  	_ =	swait.ge [sflag:s10], $0xC000  }
0x112: {  	[sflag:s10] =	ssyncset.done $0x0  }
0x113: {  	[sflag:s10] =	ssyncadd.s32 $0xFFFF4000  }
0x114: {  	v3 =	vld [tilespmem:$0xC0];
	_ =	sdelay $0x4  }
0x115: {  	v12 =	vshrl.u32 v3, $0x3  }
0x116: {  	v4 =	vmul.u32 $0x30, v12  }
0x117: {  	v3 =	vand.u32 $0x7, v3  }
0x118: {  	v3 =	vor.u32 v3, v4  }
0x119: {  	v4 =	vperm.xlane v3, v0;
	_ =	sdelay $0x1  }
0x11a: {  	v4 =	vadd.s32 v1, v4;
	_ =	sdelay $0x3  }
0x11b: {  	v3 =	vperm.xlane v3, v2  }
0x11c: {  	[tilespmem:s8], [sflag:$0x1] =	stream.indirect_vreg.gather [hbm4b:s4+s2], $0x80, v4, vm0, $0xb8;
	[tilespmem:$0x18400] =	vst v63  }
0x11d: {  	s25 =	simm.s32 $0xCC00;
	v3 =	vadd.s32 v1, v3  }
0x11e: {  	[tilespmem:s25], [sflag:$0x1] =	stream.indirect_vreg.gather [hbm4b:s5+s2], $0x80, v4, vm0, $0xb8;
	[tilespmem:$0x18400] =	vst v63  }
0x11f: {  	s11 =	simm.s32 $0xD400  }
0x120: {  	[tilespmem:s11], [sflag:$0x1] =	stream.indirect_vreg.gather [hbm4b:s6+s2], $0x80, v4, vm0, $0xb8;
	[tilespmem:$0x18400] =	vst v63  }
0x121: {  	s11 =	simm.s32 $0xDC00  }
0x122: {  	[tilespmem:s11], [sflag:$0x1] =	stream.indirect_vreg.gather [hbm4b:s4+s2], $0x80, v3, vm0, $0xb8;
	[tilespmem:$0x18400] =	vst v63  }
0x123: {  	s11 =	simm.s32 $0xE400  }
0x124: {  	[tilespmem:s11], [sflag:$0x1] =	stream.indirect_vreg.gather [hbm4b:s5+s2], $0x80, v3, vm0, $0xb8;
	[tilespmem:$0x18400] =	vst v63  }
0x125: {  	s11 =	simm.s32 $0xEC00  }
0x126: {  	[tilespmem:s11], [sflag:$0x1] =	stream.indirect_vreg.gather [hbm4b:s6+s2], $0x80, v3, vm0, $0xb8;
	[tilespmem:$0x18400] =	vst v63  }
0x127: {  	v3 =	vld [tilespmem:$0xD0];
	_ =	sdelay $0x4  }
0x128: {  	v13 =	vshrl.u32 v3, $0x3  }
0x129: {  	v4 =	vmul.u32 $0x30, v13  }
0x12a: {  	v3 =	vand.u32 $0x7, v3  }
0x12b: {  	v3 =	vor.u32 v3, v4  }
0x12c: {  	v4 =	vperm.xlane v3, v0;
	_ =	sdelay $0x1  }
0x12d: {  	v4 =	vadd.s32 v1, v4;
	_ =	sdelay $0x3  }
0x12e: {  	s26 =	simm.s32 $0xF400;
	v3 =	vperm.xlane v3, v2  }
0x12f: {  	[tilespmem:s26], [sflag:$0x1] =	stream.indirect_vreg.gather [hbm4b:s4+s2], $0x80, v4, vm0, $0xb8;
	[tilespmem:$0x18400] =	vst v63  }
0x130: {  	v3 =	vadd.s32 v1, v3;
	s26 =	simm.s32 $0xFC00  }
0x131: {  	[tilespmem:s26], [sflag:$0x1] =	stream.indirect_vreg.gather [hbm4b:s5+s2], $0x80, v4, vm0, $0xb8;
	[tilespmem:$0x18400] =	vst v63  }
0x132: {  	s11 =	simm.s32 $0x10400  }
0x133: {  	[tilespmem:s11], [sflag:$0x1] =	stream.indirect_vreg.gather [hbm4b:s6+s2], $0x80, v4, vm0, $0xb8;
	[tilespmem:$0x18400] =	vst v63  }
0x134: {  	s11 =	simm.s32 $0x10C00  }
0x135: {  	[tilespmem:s11], [sflag:$0x1] =	stream.indirect_vreg.gather [hbm4b:s4+s2], $0x80, v3, vm0, $0xb8;
	[tilespmem:$0x18400] =	vst v63  }
0x136: {  	s11 =	simm.s32 $0x11400  }
0x137: {  	[tilespmem:s11], [sflag:$0x1] =	stream.indirect_vreg.gather [hbm4b:s5+s2], $0x80, v3, vm0, $0xb8;
	[tilespmem:$0x18400] =	vst v63  }
0x138: {  	s28 =	simm.s32 $0x11C00  }
0x139: {  	[tilespmem:s28], [sflag:$0x1] =	stream.indirect_vreg.gather [hbm4b:s6+s2], $0x80, v3, vm0, $0xb8;
	[tilespmem:$0x18400] =	vst v63  }
0x13a: {  	v3 =	vld [tilespmem:$0xE0];
	_ =	sdelay $0x4  }
0x13b: {  	v14 =	vshrl.u32 v3, $0x3  }
0x13c: {  	v4 =	vmul.u32 $0x30, v14  }
0x13d: {  	v3 =	vand.u32 $0x7, v3  }
0x13e: {  	v3 =	vor.u32 v3, v4  }
0x13f: {  	v4 =	vperm.xlane v3, v0;
	_ =	sdelay $0x1  }
0x140: {  	v4 =	vadd.s32 v1, v4;
	_ =	sdelay $0x3  }
0x141: {  	s29 =	simm.s32 $0x12400;
	v3 =	vperm.xlane v3, v2  }
0x142: {  	[tilespmem:s29], [sflag:$0x1] =	stream.indirect_vreg.gather [hbm4b:s4+s2], $0x80, v4, vm0, $0xb8;
	[tilespmem:$0x18400] =	vst v63  }
0x143: {  	s28 =	simm.s32 $0x12C00;
	v3 =	vadd.s32 v1, v3  }
0x144: {  	[tilespmem:s28], [sflag:$0x1] =	stream.indirect_vreg.gather [hbm4b:s5+s2], $0x80, v4, vm0, $0xb8;
	[tilespmem:$0x18400] =	vst v63  }
0x145: {  	s29 =	simm.s32 $0x13400  }
0x146: {  	[tilespmem:s29], [sflag:$0x1] =	stream.indirect_vreg.gather [hbm4b:s6+s2], $0x80, v4, vm0, $0xb8;
	[tilespmem:$0x18400] =	vst v63  }
0x147: {  	s11 =	simm.s32 $0x13C00  }
0x148: {  	[tilespmem:s11], [sflag:$0x1] =	stream.indirect_vreg.gather [hbm4b:s4+s2], $0x80, v3, vm0, $0xb8;
	[tilespmem:$0x18400] =	vst v63  }
0x149: {  	s11 =	simm.s32 $0x14400  }
0x14a: {  	[tilespmem:s11], [sflag:$0x1] =	stream.indirect_vreg.gather [hbm4b:s5+s2], $0x80, v3, vm0, $0xb8;
	[tilespmem:$0x18400] =	vst v63  }
0x14b: {  	s30 =	simm.s32 $0x14C00  }
0x14c: {  	[tilespmem:s30], [sflag:$0x1] =	stream.indirect_vreg.gather [hbm4b:s6+s2], $0x80, v3, vm0, $0xb8;
	[tilespmem:$0x18400] =	vst v63  }
0x14d: {  	v3 =	vld [tilespmem:$0xF0];
	_ =	sdelay $0x4  }
0x14e: {  	v15 =	vshrl.u32 v3, $0x3  }
0x14f: {  	v4 =	vmul.u32 $0x30, v15  }
0x150: {  	v3 =	vand.u32 $0x7, v3  }
0x151: {  	v3 =	vor.u32 v3, v4  }
0x152: {  	v4 =	vperm.xlane v3, v0;
	_ =	sdelay $0x1  }
0x153: {  	v4 =	vadd.s32 v1, v4;
	_ =	sdelay $0x3  }
0x154: {  	s31 =	simm.s32 $0x15400;
	v3 =	vperm.xlane v3, v2  }
0x155: {  	[tilespmem:s31], [sflag:$0x1] =	stream.indirect_vreg.gather [hbm4b:s4+s2], $0x80, v4, vm0, $0xb8;
	[tilespmem:$0x18400] =	vst v63  }
0x156: {  	s30 =	simm.s32 $0x15C00;
	v3 =	vadd.s32 v1, v3  }
0x157: {  	[tilespmem:s30], [sflag:$0x1] =	stream.indirect_vreg.gather [hbm4b:s5+s2], $0x80, v4, vm0, $0xb8;
	[tilespmem:$0x18400] =	vst v63  }
0x158: {  	s31 =	simm.s32 $0x16400  }
0x159: {  	[tilespmem:s31], [sflag:$0x1] =	stream.indirect_vreg.gather [hbm4b:s6+s2], $0x80, v4, vm0, $0xb8;
	[tilespmem:$0x18400] =	vst v63  }
0x15a: {  	s11 =	simm.s32 $0x16C00  }
0x15b: {  	[tilespmem:s11], [sflag:$0x1] =	stream.indirect_vreg.gather [hbm4b:s4+s2], $0x80, v3, vm0, $0xb8;
	[tilespmem:$0x18400] =	vst v63  }
0x15c: {  	s11 =	simm.s32 $0x17400  }
0x15d: {  	[tilespmem:s11], [sflag:$0x1] =	stream.indirect_vreg.gather [hbm4b:s5+s2], $0x80, v3, vm0, $0xb8;
	[tilespmem:$0x18400] =	vst v63  }
0x15e: {  	s11 =	simm.s32 $0x17C00  }
0x15f: {  	[tilespmem:s11], [sflag:$0x1] =	stream.indirect_vreg.gather [hbm4b:s6+s2], $0x80, v3, vm0, $0xb8;
	[tilespmem:$0x18400] =	vst v63  }
0x160: {  	_ =	swait.ge [sflag:s3], $0xC000  }
0x161: {  	[sflag:s3] =	ssyncset.done $0x0  }
0x162: {  	s11 =	rddreg [dreg:$0x6];
	[sflag:s3] =	ssyncadd.s32 $0xFFFF4000  }
0x163: {  	[hbm4b:s11+s2] =	stream.linear.scatter [tilespmem:s8], [sflag:$0x2], $0xC000, $0x38;
	[tilespmem:$0x18400] =	vst v63  }
0x164: {  	_ =	swait.ge [sflag:s10], $0xC000  }
0x165: {  	[sflag:s10] =	ssyncset.done $0x0  }
0x166: {  	[sflag:s10] =	ssyncadd.s32 $0xFFFF4000  }
0x167: {  	v3 =	vld [tilespmem:$0x100];
	_ =	sdelay $0x4  }
0x168: {  	v16 =	vshrl.u32 v3, $0x3  }
0x169: {  	v4 =	vmul.u32 $0x30, v16  }
0x16a: {  	v3 =	vand.u32 $0x7, v3  }
0x16b: {  	v3 =	vor.u32 v3, v4  }
0x16c: {  	v4 =	vperm.xlane v3, v0;
	_ =	sdelay $0x1  }
0x16d: {  	v4 =	vadd.s32 v1, v4;
	_ =	sdelay $0x3  }
0x16e: {  	v3 =	vperm.xlane v3, v2  }
0x16f: {  	[tilespmem:s12], [sflag:$0x1] =	stream.indirect_vreg.gather [hbm4b:s4+s2], $0x80, v4, vm0, $0xb8;
	[tilespmem:$0x18400] =	vst v63  }
0x170: {  	v3 =	vadd.s32 v1, v3  }
0x171: {  	[tilespmem:s0], [sflag:$0x1] =	stream.indirect_vreg.gather [hbm4b:s5+s2], $0x80, v4, vm0, $0xb8;
	[tilespmem:$0x18400] =	vst v63  }
0x172: {  	_ = 	snop  }
0x173: {  	[tilespmem:s1], [sflag:$0x1] =	stream.indirect_vreg.gather [hbm4b:s6+s2], $0x80, v4, vm0, $0xb8;
	[tilespmem:$0x18400] =	vst v63  }
0x174: {  	_ = 	snop  }
0x175: {  	[tilespmem:s7], [sflag:$0x1] =	stream.indirect_vreg.gather [hbm4b:s4+s2], $0x80, v3, vm0, $0xb8;
	[tilespmem:$0x18400] =	vst v63  }
0x176: {  	_ = 	snop  }
0x177: {  	[tilespmem:s9], [sflag:$0x1] =	stream.indirect_vreg.gather [hbm4b:s5+s2], $0x80, v3, vm0, $0xb8;
	[tilespmem:$0x18400] =	vst v63  }
0x178: {  	s11 =	simm.s32 $0x2C00  }
0x179: {  	[tilespmem:s11], [sflag:$0x1] =	stream.indirect_vreg.gather [hbm4b:s6+s2], $0x80, v3, vm0, $0xb8;
	[tilespmem:$0x18400] =	vst v63  }
0x17a: {  	v3 =	vld [tilespmem:$0x110];
	_ =	sdelay $0x4  }
0x17b: {  	v17 =	vshrl.u32 v3, $0x3  }
0x17c: {  	v4 =	vmul.u32 $0x30, v17  }
0x17d: {  	v3 =	vand.u32 $0x7, v3  }
0x17e: {  	v3 =	vor.u32 v3, v4  }
0x17f: {  	v4 =	vperm.xlane v3, v0;
	_ =	sdelay $0x1  }
0x180: {  	v4 =	vadd.s32 v1, v4;
	_ =	sdelay $0x3  }
0x181: {  	s11 =	simm.s32 $0x3400;
	v3 =	vperm.xlane v3, v2  }
0x182: {  	[tilespmem:s11], [sflag:$0x1] =	stream.indirect_vreg.gather [hbm4b:s4+s2], $0x80, v4, vm0, $0xb8;
	[tilespmem:$0x18400] =	vst v63  }
0x183: {  	v3 =	vadd.s32 v1, v3  }
0x184: {  	[tilespmem:s13], [sflag:$0x1] =	stream.indirect_vreg.gather [hbm4b:s5+s2], $0x80, v4, vm0, $0xb8;
	[tilespmem:$0x18400] =	vst v63  }
0x185: {  	_ = 	snop  }
0x186: {  	[tilespmem:s14], [sflag:$0x1] =	stream.indirect_vreg.gather [hbm4b:s6+s2], $0x80, v4, vm0, $0xb8;
	[tilespmem:$0x18400] =	vst v63  }
0x187: {  	_ = 	snop  }
0x188: {  	[tilespmem:s15], [sflag:$0x1] =	stream.indirect_vreg.gather [hbm4b:s4+s2], $0x80, v3, vm0, $0xb8;
	[tilespmem:$0x18400] =	vst v63  }
0x189: {  	_ = 	snop  }
0x18a: {  	[tilespmem:s16], [sflag:$0x1] =	stream.indirect_vreg.gather [hbm4b:s5+s2], $0x80, v3, vm0, $0xb8;
	[tilespmem:$0x18400] =	vst v63  }
0x18b: {  	s16 =	simm.s32 $0x5C00  }
0x18c: {  	[tilespmem:s16], [sflag:$0x1] =	stream.indirect_vreg.gather [hbm4b:s6+s2], $0x80, v3, vm0, $0xb8;
	[tilespmem:$0x18400] =	vst v63  }
0x18d: {  	v3 =	vld [tilespmem:$0x120];
	_ =	sdelay $0x4  }
0x18e: {  	v18 =	vshrl.u32 v3, $0x3  }
0x18f: {  	v4 =	vmul.u32 $0x30, v18  }
0x190: {  	v3 =	vand.u32 $0x7, v3  }
0x191: {  	v3 =	vor.u32 v3, v4  }
0x192: {  	v4 =	vperm.xlane v3, v0;
	_ =	sdelay $0x1  }
0x193: {  	v4 =	vadd.s32 v1, v4;
	_ =	sdelay $0x3  }
0x194: {  	s16 =	simm.s32 $0x6400;
	v3 =	vperm.xlane v3, v2  }
0x195: {  	[tilespmem:s16], [sflag:$0x1] =	stream.indirect_vreg.gather [hbm4b:s4+s2], $0x80, v4, vm0, $0xb8;
	[tilespmem:$0x18400] =	vst v63  }
0x196: {  	v3 =	vadd.s32 v1, v3  }
0x197: {  	[tilespmem:s17], [sflag:$0x1] =	stream.indirect_vreg.gather [hbm4b:s5+s2], $0x80, v4, vm0, $0xb8;
	[tilespmem:$0x18400] =	vst v63  }
0x198: {  	_ = 	snop  }
0x199: {  	[tilespmem:s18], [sflag:$0x1] =	stream.indirect_vreg.gather [hbm4b:s6+s2], $0x80, v4, vm0, $0xb8;
	[tilespmem:$0x18400] =	vst v63  }
0x19a: {  	_ = 	snop  }
0x19b: {  	[tilespmem:s19], [sflag:$0x1] =	stream.indirect_vreg.gather [hbm4b:s4+s2], $0x80, v3, vm0, $0xb8;
	[tilespmem:$0x18400] =	vst v63  }
0x19c: {  	_ = 	snop  }
0x19d: {  	[tilespmem:s20], [sflag:$0x1] =	stream.indirect_vreg.gather [hbm4b:s5+s2], $0x80, v3, vm0, $0xb8;
	[tilespmem:$0x18400] =	vst v63  }
0x19e: {  	s20 =	simm.s32 $0x8C00  }
0x19f: {  	[tilespmem:s20], [sflag:$0x1] =	stream.indirect_vreg.gather [hbm4b:s6+s2], $0x80, v3, vm0, $0xb8;
	[tilespmem:$0x18400] =	vst v63  }
0x1a0: {  	v3 =	vld [tilespmem:$0x130];
	_ =	sdelay $0x4  }
0x1a1: {  	v19 =	vshrl.u32 v3, $0x3  }
0x1a2: {  	v4 =	vmul.u32 $0x30, v19  }
0x1a3: {  	v3 =	vand.u32 $0x7, v3  }
0x1a4: {  	v3 =	vor.u32 v3, v4  }
0x1a5: {  	v4 =	vperm.xlane v3, v0;
	_ =	sdelay $0x1  }
0x1a6: {  	v4 =	vadd.s32 v1, v4;
	_ =	sdelay $0x3  }
0x1a7: {  	s20 =	simm.s32 $0x9400;
	v3 =	vperm.xlane v3, v2  }
0x1a8: {  	[tilespmem:s20], [sflag:$0x1] =	stream.indirect_vreg.gather [hbm4b:s4+s2], $0x80, v4, vm0, $0xb8;
	[tilespmem:$0x18400] =	vst v63  }
0x1a9: {  	v3 =	vadd.s32 v1, v3  }
0x1aa: {  	[tilespmem:s21], [sflag:$0x1] =	stream.indirect_vreg.gather [hbm4b:s5+s2], $0x80, v4, vm0, $0xb8;
	[tilespmem:$0x18400] =	vst v63  }
0x1ab: {  	_ = 	snop  }
0x1ac: {  	[tilespmem:s22], [sflag:$0x1] =	stream.indirect_vreg.gather [hbm4b:s6+s2], $0x80, v4, vm0, $0xb8;
	[tilespmem:$0x18400] =	vst v63  }
0x1ad: {  	_ = 	snop  }
0x1ae: {  	[tilespmem:s23], [sflag:$0x1] =	stream.indirect_vreg.gather [hbm4b:s4+s2], $0x80, v3, vm0, $0xb8;
	[tilespmem:$0x18400] =	vst v63  }
0x1af: {  	_ = 	snop  }
0x1b0: {  	[tilespmem:s24], [sflag:$0x1] =	stream.indirect_vreg.gather [hbm4b:s5+s2], $0x80, v3, vm0, $0xb8;
	[tilespmem:$0x18400] =	vst v63  }
0x1b1: {  	s24 =	simm.s32 $0xBC00  }
0x1b2: {  	[tilespmem:s24], [sflag:$0x1] =	stream.indirect_vreg.gather [hbm4b:s6+s2], $0x80, v3, vm0, $0xb8;
	[tilespmem:$0x18400] =	vst v63  }
0x1b3: {  	_ =	swait.ge [sflag:s3], $0xC000  }
0x1b4: {  	[sflag:s3] =	ssyncset.done $0x0  }
0x1b5: {  	s24 =	rddreg [dreg:$0x7];
	[sflag:s3] =	ssyncadd.s32 $0xFFFF4000  }
0x1b6: {  	[hbm4b:s24+s2] =	stream.linear.scatter [tilespmem:s12], [sflag:$0x2], $0xC000, $0x38;
	[tilespmem:$0x18400] =	vst v63  }
0x1b7: {  	_ =	swait.ge [sflag:s10], $0xC000  }
0x1b8: {  	[sflag:s10] =	ssyncset.done $0x0  }
0x1b9: {  	[sflag:s10] =	ssyncadd.s32 $0xFFFF4000  }
0x1ba: {  	v3 =	vld [tilespmem:$0x140];
	_ =	sdelay $0x4  }
0x1bb: {  	v20 =	vshrl.u32 v3, $0x3  }
0x1bc: {  	v4 =	vmul.u32 $0x30, v20  }
0x1bd: {  	v3 =	vand.u32 $0x7, v3  }
0x1be: {  	v3 =	vor.u32 v3, v4  }
0x1bf: {  	v4 =	vperm.xlane v3, v0;
	_ =	sdelay $0x1  }
0x1c0: {  	v4 =	vadd.s32 v1, v4;
	_ =	sdelay $0x3  }
0x1c1: {  	v3 =	vperm.xlane v3, v2  }
0x1c2: {  	[tilespmem:s8], [sflag:$0x1] =	stream.indirect_vreg.gather [hbm4b:s4+s2], $0x80, v4, vm0, $0xb8;
	[tilespmem:$0x18400] =	vst v63  }
0x1c3: {  	s25 =	simm.s32 $0xCC00;
	v3 =	vadd.s32 v1, v3  }
0x1c4: {  	[tilespmem:s25], [sflag:$0x1] =	stream.indirect_vreg.gather [hbm4b:s5+s2], $0x80, v4, vm0, $0xb8;
	[tilespmem:$0x18400] =	vst v63  }
0x1c5: {  	s25 =	simm.s32 $0xD400  }
0x1c6: {  	[tilespmem:s25], [sflag:$0x1] =	stream.indirect_vreg.gather [hbm4b:s6+s2], $0x80, v4, vm0, $0xb8;
	[tilespmem:$0x18400] =	vst v63  }
0x1c7: {  	s11 =	simm.s32 $0xDC00  }
0x1c8: {  	[tilespmem:s11], [sflag:$0x1] =	stream.indirect_vreg.gather [hbm4b:s4+s2], $0x80, v3, vm0, $0xb8;
	[tilespmem:$0x18400] =	vst v63  }
0x1c9: {  	s11 =	simm.s32 $0xE400  }
0x1ca: {  	[tilespmem:s11], [sflag:$0x1] =	stream.indirect_vreg.gather [hbm4b:s5+s2], $0x80, v3, vm0, $0xb8;
	[tilespmem:$0x18400] =	vst v63  }
0x1cb: {  	s11 =	simm.s32 $0xEC00  }
0x1cc: {  	[tilespmem:s11], [sflag:$0x1] =	stream.indirect_vreg.gather [hbm4b:s6+s2], $0x80, v3, vm0, $0xb8;
	[tilespmem:$0x18400] =	vst v63  }
0x1cd: {  	v3 =	vld [tilespmem:$0x150];
	_ =	sdelay $0x4  }
0x1ce: {  	v21 =	vshrl.u32 v3, $0x3  }
0x1cf: {  	v4 =	vmul.u32 $0x30, v21  }
0x1d0: {  	v3 =	vand.u32 $0x7, v3  }
0x1d1: {  	v3 =	vor.u32 v3, v4  }
0x1d2: {  	v4 =	vperm.xlane v3, v0;
	_ =	sdelay $0x1  }
0x1d3: {  	v4 =	vadd.s32 v1, v4;
	_ =	sdelay $0x3  }
0x1d4: {  	s11 =	simm.s32 $0xF400;
	v3 =	vperm.xlane v3, v2  }
0x1d5: {  	[tilespmem:s11], [sflag:$0x1] =	stream.indirect_vreg.gather [hbm4b:s4+s2], $0x80, v4, vm0, $0xb8;
	[tilespmem:$0x18400] =	vst v63  }
0x1d6: {  	s26 =	simm.s32 $0xFC00;
	v3 =	vadd.s32 v1, v3  }
0x1d7: {  	[tilespmem:s26], [sflag:$0x1] =	stream.indirect_vreg.gather [hbm4b:s5+s2], $0x80, v4, vm0, $0xb8;
	[tilespmem:$0x18400] =	vst v63  }
0x1d8: {  	s11 =	simm.s32 $0x10400  }
0x1d9: {  	[tilespmem:s11], [sflag:$0x1] =	stream.indirect_vreg.gather [hbm4b:s6+s2], $0x80, v4, vm0, $0xb8;
	[tilespmem:$0x18400] =	vst v63  }
0x1da: {  	s11 =	simm.s32 $0x10C00  }
0x1db: {  	[tilespmem:s11], [sflag:$0x1] =	stream.indirect_vreg.gather [hbm4b:s4+s2], $0x80, v3, vm0, $0xb8;
	[tilespmem:$0x18400] =	vst v63  }
0x1dc: {  	s11 =	simm.s32 $0x11400  }
0x1dd: {  	[tilespmem:s11], [sflag:$0x1] =	stream.indirect_vreg.gather [hbm4b:s5+s2], $0x80, v3, vm0, $0xb8;
	[tilespmem:$0x18400] =	vst v63  }
0x1de: {  	s11 =	simm.s32 $0x11C00  }
0x1df: {  	[tilespmem:s11], [sflag:$0x1] =	stream.indirect_vreg.gather [hbm4b:s6+s2], $0x80, v3, vm0, $0xb8;
	[tilespmem:$0x18400] =	vst v63  }
0x1e0: {  	v3 =	vld [tilespmem:$0x160];
	_ =	sdelay $0x4  }
0x1e1: {  	v22 =	vshrl.u32 v3, $0x3  }
0x1e2: {  	v4 =	vmul.u32 $0x30, v22  }
0x1e3: {  	v3 =	vand.u32 $0x7, v3  }
0x1e4: {  	v3 =	vor.u32 v3, v4  }
0x1e5: {  	v4 =	vperm.xlane v3, v0;
	_ =	sdelay $0x1  }
0x1e6: {  	v4 =	vadd.s32 v1, v4;
	_ =	sdelay $0x3  }
0x1e7: {  	s11 =	simm.s32 $0x12400;
	v3 =	vperm.xlane v3, v2  }
0x1e8: {  	[tilespmem:s11], [sflag:$0x1] =	stream.indirect_vreg.gather [hbm4b:s4+s2], $0x80, v4, vm0, $0xb8;
	[tilespmem:$0x18400] =	vst v63  }
0x1e9: {  	s28 =	simm.s32 $0x12C00;
	v3 =	vadd.s32 v1, v3  }
0x1ea: {  	[tilespmem:s28], [sflag:$0x1] =	stream.indirect_vreg.gather [hbm4b:s5+s2], $0x80, v4, vm0, $0xb8;
	[tilespmem:$0x18400] =	vst v63  }
0x1eb: {  	s29 =	simm.s32 $0x13400  }
0x1ec: {  	[tilespmem:s29], [sflag:$0x1] =	stream.indirect_vreg.gather [hbm4b:s6+s2], $0x80, v4, vm0, $0xb8;
	[tilespmem:$0x18400] =	vst v63  }
0x1ed: {  	s11 =	simm.s32 $0x13C00  }
0x1ee: {  	[tilespmem:s11], [sflag:$0x1] =	stream.indirect_vreg.gather [hbm4b:s4+s2], $0x80, v3, vm0, $0xb8;
	[tilespmem:$0x18400] =	vst v63  }
0x1ef: {  	s11 =	simm.s32 $0x14400  }
0x1f0: {  	[tilespmem:s11], [sflag:$0x1] =	stream.indirect_vreg.gather [hbm4b:s5+s2], $0x80, v3, vm0, $0xb8;
	[tilespmem:$0x18400] =	vst v63  }
0x1f1: {  	s11 =	simm.s32 $0x14C00  }
0x1f2: {  	[tilespmem:s11], [sflag:$0x1] =	stream.indirect_vreg.gather [hbm4b:s6+s2], $0x80, v3, vm0, $0xb8;
	[tilespmem:$0x18400] =	vst v63  }
0x1f3: {  	v3 =	vld [tilespmem:$0x170];
	_ =	sdelay $0x4  }
0x1f4: {  	v23 =	vshrl.u32 v3, $0x3  }
0x1f5: {  	v4 =	vmul.u32 $0x30, v23  }
0x1f6: {  	v3 =	vand.u32 $0x7, v3  }
0x1f7: {  	v3 =	vor.u32 v3, v4  }
0x1f8: {  	v4 =	vperm.xlane v3, v0;
	_ =	sdelay $0x1  }
0x1f9: {  	v4 =	vadd.s32 v1, v4;
	_ =	sdelay $0x3  }
0x1fa: {  	s11 =	simm.s32 $0x15400;
	v3 =	vperm.xlane v3, v2  }
0x1fb: {  	[tilespmem:s11], [sflag:$0x1] =	stream.indirect_vreg.gather [hbm4b:s4+s2], $0x80, v4, vm0, $0xb8;
	[tilespmem:$0x18400] =	vst v63  }
0x1fc: {  	s30 =	simm.s32 $0x15C00;
	v3 =	vadd.s32 v1, v3  }
0x1fd: {  	[tilespmem:s30], [sflag:$0x1] =	stream.indirect_vreg.gather [hbm4b:s5+s2], $0x80, v4, vm0, $0xb8;
	[tilespmem:$0x18400] =	vst v63  }
0x1fe: {  	s31 =	simm.s32 $0x16400  }
0x1ff: {  	[tilespmem:s31], [sflag:$0x1] =	stream.indirect_vreg.gather [hbm4b:s6+s2], $0x80, v4, vm0, $0xb8;
	[tilespmem:$0x18400] =	vst v63  }
0x200: {  	s11 =	simm.s32 $0x16C00  }
0x201: {  	[tilespmem:s11], [sflag:$0x1] =	stream.indirect_vreg.gather [hbm4b:s4+s2], $0x80, v3, vm0, $0xb8;
	[tilespmem:$0x18400] =	vst v63  }
0x202: {  	s11 =	simm.s32 $0x17400  }
0x203: {  	[tilespmem:s11], [sflag:$0x1] =	stream.indirect_vreg.gather [hbm4b:s5+s2], $0x80, v3, vm0, $0xb8;
	[tilespmem:$0x18400] =	vst v63  }
0x204: {  	s11 =	simm.s32 $0x17C00  }
0x205: {  	[tilespmem:s11], [sflag:$0x1] =	stream.indirect_vreg.gather [hbm4b:s6+s2], $0x80, v3, vm0, $0xb8;
	[tilespmem:$0x18400] =	vst v63  }
0x206: {  	_ =	swait.ge [sflag:s3], $0xC000  }
0x207: {  	[sflag:s3] =	ssyncset.done $0x0  }
0x208: {  	s11 =	rddreg [dreg:$0x8];
	[sflag:s3] =	ssyncadd.s32 $0xFFFF4000  }
0x209: {  	[hbm4b:s11+s2] =	stream.linear.scatter [tilespmem:s8], [sflag:$0x2], $0xC000, $0x38;
	[tilespmem:$0x18400] =	vst v63  }
0x20a: {  	_ =	swait.ge [sflag:s10], $0xC000  }
0x20b: {  	[sflag:s10] =	ssyncset.done $0x0  }
0x20c: {  	[sflag:s10] =	ssyncadd.s32 $0xFFFF4000  }
0x20d: {  	v3 =	vld [tilespmem:$0x180];
	_ =	sdelay $0x4  }
0x20e: {  	v24 =	vshrl.u32 v3, $0x3  }
0x20f: {  	v4 =	vmul.u32 $0x30, v24  }
0x210: {  	v3 =	vand.u32 $0x7, v3  }
0x211: {  	v3 =	vor.u32 v3, v4  }
0x212: {  	v4 =	vperm.xlane v3, v0;
	_ =	sdelay $0x1  }
0x213: {  	v4 =	vadd.s32 v1, v4;
	_ =	sdelay $0x3  }
0x214: {  	v3 =	vperm.xlane v3, v2  }
0x215: {  	[tilespmem:s12], [sflag:$0x1] =	stream.indirect_vreg.gather [hbm4b:s4+s2], $0x80, v4, vm0, $0xb8;
	[tilespmem:$0x18400] =	vst v63  }
0x216: {  	s11 =	simm.s32 $0xC00;
	v3 =	vadd.s32 v1, v3  }
0x217: {  	[tilespmem:s11], [sflag:$0x1] =	stream.indirect_vreg.gather [hbm4b:s5+s2], $0x80, v4, vm0, $0xb8;
	[tilespmem:$0x18400] =	vst v63  }
0x218: {  	s1 =	simm.s32 $0x1400  }
0x219: {  	[tilespmem:s1], [sflag:$0x1] =	stream.indirect_vreg.gather [hbm4b:s6+s2], $0x80, v4, vm0, $0xb8;
	[tilespmem:$0x18400] =	vst v63  }
0x21a: {  	s7 =	simm.s32 $0x1C00  }
0x21b: {  	[tilespmem:s7], [sflag:$0x1] =	stream.indirect_vreg.gather [hbm4b:s4+s2], $0x80, v3, vm0, $0xb8;
	[tilespmem:$0x18400] =	vst v63  }
0x21c: {  	s0 =	simm.s32 $0x2400  }
0x21d: {  	[tilespmem:s0], [sflag:$0x1] =	stream.indirect_vreg.gather [hbm4b:s5+s2], $0x80, v3, vm0, $0xb8;
	[tilespmem:$0x18400] =	vst v63  }
0x21e: {  	s11 =	simm.s32 $0x2C00  }
0x21f: {  	[tilespmem:s11], [sflag:$0x1] =	stream.indirect_vreg.gather [hbm4b:s6+s2], $0x80, v3, vm0, $0xb8;
	[tilespmem:$0x18400] =	vst v63  }
0x220: {  	v3 =	vld [tilespmem:$0x190];
	_ =	sdelay $0x4  }
0x221: {  	v25 =	vshrl.u32 v3, $0x3  }
0x222: {  	v4 =	vmul.u32 $0x30, v25  }
0x223: {  	v3 =	vand.u32 $0x7, v3  }
0x224: {  	v3 =	vor.u32 v3, v4  }
0x225: {  	v4 =	vperm.xlane v3, v0;
	_ =	sdelay $0x1  }
0x226: {  	v4 =	vadd.s32 v1, v4;
	_ =	sdelay $0x3  }
0x227: {  	s11 =	simm.s32 $0x3400;
	v3 =	vperm.xlane v3, v2  }
0x228: {  	[tilespmem:s11], [sflag:$0x1] =	stream.indirect_vreg.gather [hbm4b:s4+s2], $0x80, v4, vm0, $0xb8;
	[tilespmem:$0x18400] =	vst v63  }
0x229: {  	s9 =	simm.s32 $0x3C00;
	v3 =	vadd.s32 v1, v3  }
0x22a: {  	[tilespmem:s9], [sflag:$0x1] =	stream.indirect_vreg.gather [hbm4b:s5+s2], $0x80, v4, vm0, $0xb8;
	[tilespmem:$0x18400] =	vst v63  }
0x22b: {  	s13 =	simm.s32 $0x4400  }
0x22c: {  	[tilespmem:s13], [sflag:$0x1] =	stream.indirect_vreg.gather [hbm4b:s6+s2], $0x80, v4, vm0, $0xb8;
	[tilespmem:$0x18400] =	vst v63  }
0x22d: {  	s14 =	simm.s32 $0x4C00  }
0x22e: {  	[tilespmem:s14], [sflag:$0x1] =	stream.indirect_vreg.gather [hbm4b:s4+s2], $0x80, v3, vm0, $0xb8;
	[tilespmem:$0x18400] =	vst v63  }
0x22f: {  	s15 =	simm.s32 $0x5400  }
0x230: {  	[tilespmem:s15], [sflag:$0x1] =	stream.indirect_vreg.gather [hbm4b:s5+s2], $0x80, v3, vm0, $0xb8;
	[tilespmem:$0x18400] =	vst v63  }
0x231: {  	s15 =	simm.s32 $0x5C00  }
0x232: {  	[tilespmem:s15], [sflag:$0x1] =	stream.indirect_vreg.gather [hbm4b:s6+s2], $0x80, v3, vm0, $0xb8;
	[tilespmem:$0x18400] =	vst v63  }
0x233: {  	v3 =	vld [tilespmem:$0x1A0];
	_ =	sdelay $0x4  }
0x234: {  	v26 =	vshrl.u32 v3, $0x3  }
0x235: {  	v4 =	vmul.u32 $0x30, v26  }
0x236: {  	v3 =	vand.u32 $0x7, v3  }
0x237: {  	v3 =	vor.u32 v3, v4  }
0x238: {  	v4 =	vperm.xlane v3, v0;
	_ =	sdelay $0x1  }
0x239: {  	v4 =	vadd.s32 v1, v4;
	_ =	sdelay $0x3  }
0x23a: {  	s15 =	simm.s32 $0x6400;
	v3 =	vperm.xlane v3, v2  }
0x23b: {  	[tilespmem:s15], [sflag:$0x1] =	stream.indirect_vreg.gather [hbm4b:s4+s2], $0x80, v4, vm0, $0xb8;
	[tilespmem:$0x18400] =	vst v63  }
0x23c: {  	s16 =	simm.s32 $0x6C00;
	v3 =	vadd.s32 v1, v3  }
0x23d: {  	[tilespmem:s16], [sflag:$0x1] =	stream.indirect_vreg.gather [hbm4b:s5+s2], $0x80, v4, vm0, $0xb8;
	[tilespmem:$0x18400] =	vst v63  }
0x23e: {  	s17 =	simm.s32 $0x7400  }
0x23f: {  	[tilespmem:s17], [sflag:$0x1] =	stream.indirect_vreg.gather [hbm4b:s6+s2], $0x80, v4, vm0, $0xb8;
	[tilespmem:$0x18400] =	vst v63  }
0x240: {  	s18 =	simm.s32 $0x7C00  }
0x241: {  	[tilespmem:s18], [sflag:$0x1] =	stream.indirect_vreg.gather [hbm4b:s4+s2], $0x80, v3, vm0, $0xb8;
	[tilespmem:$0x18400] =	vst v63  }
0x242: {  	s19 =	simm.s32 $0x8400  }
0x243: {  	[tilespmem:s19], [sflag:$0x1] =	stream.indirect_vreg.gather [hbm4b:s5+s2], $0x80, v3, vm0, $0xb8;
	[tilespmem:$0x18400] =	vst v63  }
0x244: {  	s19 =	simm.s32 $0x8C00  }
0x245: {  	[tilespmem:s19], [sflag:$0x1] =	stream.indirect_vreg.gather [hbm4b:s6+s2], $0x80, v3, vm0, $0xb8;
	[tilespmem:$0x18400] =	vst v63  }
0x246: {  	v3 =	vld [tilespmem:$0x1B0];
	_ =	sdelay $0x4  }
0x247: {  	v27 =	vshrl.u32 v3, $0x3  }
0x248: {  	v4 =	vmul.u32 $0x30, v27  }
0x249: {  	v3 =	vand.u32 $0x7, v3  }
0x24a: {  	v3 =	vor.u32 v3, v4  }
0x24b: {  	v4 =	vperm.xlane v3, v0;
	_ =	sdelay $0x1  }
0x24c: {  	v4 =	vadd.s32 v1, v4;
	_ =	sdelay $0x3  }
0x24d: {  	s19 =	simm.s32 $0x9400;
	v3 =	vperm.xlane v3, v2  }
0x24e: {  	[tilespmem:s19], [sflag:$0x1] =	stream.indirect_vreg.gather [hbm4b:s4+s2], $0x80, v4, vm0, $0xb8;
	[tilespmem:$0x18400] =	vst v63  }
0x24f: {  	s20 =	simm.s32 $0x9C00;
	v3 =	vadd.s32 v1, v3  }
0x250: {  	[tilespmem:s20], [sflag:$0x1] =	stream.indirect_vreg.gather [hbm4b:s5+s2], $0x80, v4, vm0, $0xb8;
	[tilespmem:$0x18400] =	vst v63  }
0x251: {  	s21 =	simm.s32 $0xA400  }
0x252: {  	[tilespmem:s21], [sflag:$0x1] =	stream.indirect_vreg.gather [hbm4b:s6+s2], $0x80, v4, vm0, $0xb8;
	[tilespmem:$0x18400] =	vst v63  }
0x253: {  	s22 =	simm.s32 $0xAC00  }
0x254: {  	[tilespmem:s22], [sflag:$0x1] =	stream.indirect_vreg.gather [hbm4b:s4+s2], $0x80, v3, vm0, $0xb8;
	[tilespmem:$0x18400] =	vst v63  }
0x255: {  	s23 =	simm.s32 $0xB400  }
0x256: {  	[tilespmem:s23], [sflag:$0x1] =	stream.indirect_vreg.gather [hbm4b:s5+s2], $0x80, v3, vm0, $0xb8;
	[tilespmem:$0x18400] =	vst v63  }
0x257: {  	s23 =	simm.s32 $0xBC00  }
0x258: {  	[tilespmem:s23], [sflag:$0x1] =	stream.indirect_vreg.gather [hbm4b:s6+s2], $0x80, v3, vm0, $0xb8;
	[tilespmem:$0x18400] =	vst v63  }
0x259: {  	_ =	swait.ge [sflag:s3], $0xC000  }
0x25a: {  	[sflag:s3] =	ssyncset.done $0x0  }
0x25b: {  	s23 =	rddreg [dreg:$0x9];
	[sflag:s3] =	ssyncadd.s32 $0xFFFF4000  }
0x25c: {  	[hbm4b:s23+s2] =	stream.linear.scatter [tilespmem:s12], [sflag:$0x2], $0xC000, $0x38;
	[tilespmem:$0x18400] =	vst v63  }
0x25d: {  	_ =	swait.ge [sflag:s10], $0xC000  }
0x25e: {  	[sflag:s10] =	ssyncset.done $0x0  }
0x25f: {  	[sflag:s10] =	ssyncadd.s32 $0xFFFF4000  }
0x260: {  	v3 =	vld [tilespmem:$0x1C0];
	_ =	sdelay $0x4  }
0x261: {  	v28 =	vshrl.u32 v3, $0x3  }
0x262: {  	v4 =	vmul.u32 $0x30, v28  }
0x263: {  	v3 =	vand.u32 $0x7, v3  }
0x264: {  	v3 =	vor.u32 v3, v4  }
0x265: {  	v4 =	vperm.xlane v3, v0;
	_ =	sdelay $0x1  }
0x266: {  	v4 =	vadd.s32 v1, v4;
	_ =	sdelay $0x3  }
0x267: {  	v3 =	vperm.xlane v3, v2  }
0x268: {  	[tilespmem:s8], [sflag:$0x1] =	stream.indirect_vreg.gather [hbm4b:s4+s2], $0x80, v4, vm0, $0xb8;
	[tilespmem:$0x18400] =	vst v63  }
0x269: {  	s24 =	simm.s32 $0xCC00;
	v3 =	vadd.s32 v1, v3  }
0x26a: {  	[tilespmem:s24], [sflag:$0x1] =	stream.indirect_vreg.gather [hbm4b:s5+s2], $0x80, v4, vm0, $0xb8;
	[tilespmem:$0x18400] =	vst v63  }
0x26b: {  	s25 =	simm.s32 $0xD400  }
0x26c: {  	[tilespmem:s25], [sflag:$0x1] =	stream.indirect_vreg.gather [hbm4b:s6+s2], $0x80, v4, vm0, $0xb8;
	[tilespmem:$0x18400] =	vst v63  }
0x26d: {  	s25 =	simm.s32 $0xDC00  }
0x26e: {  	[tilespmem:s25], [sflag:$0x1] =	stream.indirect_vreg.gather [hbm4b:s4+s2], $0x80, v3, vm0, $0xb8;
	[tilespmem:$0x18400] =	vst v63  }
0x26f: {  	s11 =	simm.s32 $0xE400  }
0x270: {  	[tilespmem:s11], [sflag:$0x1] =	stream.indirect_vreg.gather [hbm4b:s5+s2], $0x80, v3, vm0, $0xb8;
	[tilespmem:$0x18400] =	vst v63  }
0x271: {  	s11 =	simm.s32 $0xEC00  }
0x272: {  	[tilespmem:s11], [sflag:$0x1] =	stream.indirect_vreg.gather [hbm4b:s6+s2], $0x80, v3, vm0, $0xb8;
	[tilespmem:$0x18400] =	vst v63  }
0x273: {  	v3 =	vld [tilespmem:$0x1D0];
	_ =	sdelay $0x4  }
0x274: {  	v29 =	vshrl.u32 v3, $0x3  }
0x275: {  	v4 =	vmul.u32 $0x30, v29  }
0x276: {  	v3 =	vand.u32 $0x7, v3  }
0x277: {  	v3 =	vor.u32 v3, v4  }
0x278: {  	v4 =	vperm.xlane v3, v0;
	_ =	sdelay $0x1  }
0x279: {  	v4 =	vadd.s32 v1, v4;
	_ =	sdelay $0x3  }
0x27a: {  	s11 =	simm.s32 $0xF400;
	v3 =	vperm.xlane v3, v2  }
0x27b: {  	[tilespmem:s11], [sflag:$0x1] =	stream.indirect_vreg.gather [hbm4b:s4+s2], $0x80, v4, vm0, $0xb8;
	[tilespmem:$0x18400] =	vst v63  }
0x27c: {  	s26 =	simm.s32 $0xFC00;
	v3 =	vadd.s32 v1, v3  }
0x27d: {  	[tilespmem:s26], [sflag:$0x1] =	stream.indirect_vreg.gather [hbm4b:s5+s2], $0x80, v4, vm0, $0xb8;
	[tilespmem:$0x18400] =	vst v63  }
0x27e: {  	s11 =	simm.s32 $0x10400  }
0x27f: {  	[tilespmem:s11], [sflag:$0x1] =	stream.indirect_vreg.gather [hbm4b:s6+s2], $0x80, v4, vm0, $0xb8;
	[tilespmem:$0x18400] =	vst v63  }
0x280: {  	s11 =	simm.s32 $0x10C00  }
0x281: {  	[tilespmem:s11], [sflag:$0x1] =	stream.indirect_vreg.gather [hbm4b:s4+s2], $0x80, v3, vm0, $0xb8;
	[tilespmem:$0x18400] =	vst v63  }
0x282: {  	s11 =	simm.s32 $0x11400  }
0x283: {  	[tilespmem:s11], [sflag:$0x1] =	stream.indirect_vreg.gather [hbm4b:s5+s2], $0x80, v3, vm0, $0xb8;
	[tilespmem:$0x18400] =	vst v63  }
0x284: {  	s11 =	simm.s32 $0x11C00  }
0x285: {  	[tilespmem:s11], [sflag:$0x1] =	stream.indirect_vreg.gather [hbm4b:s6+s2], $0x80, v3, vm0, $0xb8;
	[tilespmem:$0x18400] =	vst v63  }
0x286: {  	v3 =	vld [tilespmem:$0x1E0];
	_ =	sdelay $0x4  }
0x287: {  	v30 =	vshrl.u32 v3, $0x3  }
0x288: {  	v4 =	vmul.u32 $0x30, v30  }
0x289: {  	v3 =	vand.u32 $0x7, v3  }
0x28a: {  	v3 =	vor.u32 v3, v4  }
0x28b: {  	v4 =	vperm.xlane v3, v0;
	_ =	sdelay $0x1  }
0x28c: {  	v4 =	vadd.s32 v1, v4;
	_ =	sdelay $0x3  }
0x28d: {  	s11 =	simm.s32 $0x12400;
	v3 =	vperm.xlane v3, v2  }
0x28e: {  	[tilespmem:s11], [sflag:$0x1] =	stream.indirect_vreg.gather [hbm4b:s4+s2], $0x80, v4, vm0, $0xb8;
	[tilespmem:$0x18400] =	vst v63  }
0x28f: {  	s28 =	simm.s32 $0x12C00;
	v3 =	vadd.s32 v1, v3  }
0x290: {  	[tilespmem:s28], [sflag:$0x1] =	stream.indirect_vreg.gather [hbm4b:s5+s2], $0x80, v4, vm0, $0xb8;
	[tilespmem:$0x18400] =	vst v63  }
0x291: {  	s29 =	simm.s32 $0x13400  }
0x292: {  	[tilespmem:s29], [sflag:$0x1] =	stream.indirect_vreg.gather [hbm4b:s6+s2], $0x80, v4, vm0, $0xb8;
	[tilespmem:$0x18400] =	vst v63  }
0x293: {  	s11 =	simm.s32 $0x13C00  }
0x294: {  	[tilespmem:s11], [sflag:$0x1] =	stream.indirect_vreg.gather [hbm4b:s4+s2], $0x80, v3, vm0, $0xb8;
	[tilespmem:$0x18400] =	vst v63  }
0x295: {  	s11 =	simm.s32 $0x14400  }
0x296: {  	[tilespmem:s11], [sflag:$0x1] =	stream.indirect_vreg.gather [hbm4b:s5+s2], $0x80, v3, vm0, $0xb8;
	[tilespmem:$0x18400] =	vst v63  }
0x297: {  	s11 =	simm.s32 $0x14C00  }
0x298: {  	[tilespmem:s11], [sflag:$0x1] =	stream.indirect_vreg.gather [hbm4b:s6+s2], $0x80, v3, vm0, $0xb8;
	[tilespmem:$0x18400] =	vst v63  }
0x299: {  	v3 =	vld [tilespmem:$0x1F0];
	_ =	sdelay $0x4  }
0x29a: {  	v31 =	vshrl.u32 v3, $0x3  }
0x29b: {  	v4 =	vmul.u32 $0x30, v31  }
0x29c: {  	v3 =	vand.u32 $0x7, v3  }
0x29d: {  	v3 =	vor.u32 v3, v4  }
0x29e: {  	v4 =	vperm.xlane v3, v0;
	_ =	sdelay $0x1  }
0x29f: {  	v4 =	vadd.s32 v1, v4;
	_ =	sdelay $0x3  }
0x2a0: {  	s11 =	simm.s32 $0x15400;
	v3 =	vperm.xlane v3, v2  }
0x2a1: {  	[tilespmem:s11], [sflag:$0x1] =	stream.indirect_vreg.gather [hbm4b:s4+s2], $0x80, v4, vm0, $0xb8;
	[tilespmem:$0x18400] =	vst v63  }
0x2a2: {  	s30 =	simm.s32 $0x15C00;
	v3 =	vadd.s32 v1, v3  }
0x2a3: {  	[tilespmem:s30], [sflag:$0x1] =	stream.indirect_vreg.gather [hbm4b:s5+s2], $0x80, v4, vm0, $0xb8;
	[tilespmem:$0x18400] =	vst v63  }
0x2a4: {  	s31 =	simm.s32 $0x16400  }
0x2a5: {  	[tilespmem:s31], [sflag:$0x1] =	stream.indirect_vreg.gather [hbm4b:s6+s2], $0x80, v4, vm0, $0xb8;
	[tilespmem:$0x18400] =	vst v63  }
0x2a6: {  	s11 =	simm.s32 $0x16C00  }
0x2a7: {  	[tilespmem:s11], [sflag:$0x1] =	stream.indirect_vreg.gather [hbm4b:s4+s2], $0x80, v3, vm0, $0xb8;
	[tilespmem:$0x18400] =	vst v63  }
0x2a8: {  	s11 =	simm.s32 $0x17400  }
0x2a9: {  	[tilespmem:s11], [sflag:$0x1] =	stream.indirect_vreg.gather [hbm4b:s5+s2], $0x80, v3, vm0, $0xb8;
	[tilespmem:$0x18400] =	vst v63  }
0x2aa: {  	s11 =	simm.s32 $0x17C00  }
0x2ab: {  	[tilespmem:s11], [sflag:$0x1] =	stream.indirect_vreg.gather [hbm4b:s6+s2], $0x80, v3, vm0, $0xb8;
	[tilespmem:$0x18400] =	vst v63  }
0x2ac: {  	_ =	swait.ge [sflag:s3], $0xC000  }
0x2ad: {  	[sflag:s3] =	ssyncset.done $0x0  }
0x2ae: {  	s11 =	rddreg [dreg:$0xa];
	[sflag:s3] =	ssyncadd.s32 $0xFFFF4000  }
0x2af: {  	[hbm4b:s11+s2] =	stream.linear.scatter [tilespmem:s8], [sflag:$0x2], $0xC000, $0x38;
	[tilespmem:$0x18400] =	vst v63  }
0x2b0: {  	_ =	swait.ge [sflag:s10], $0xC000  }
0x2b1: {  	[sflag:s10] =	ssyncset.done $0x0  }
0x2b2: {  	[sflag:s10] =	ssyncadd.s32 $0xFFFF4000  }
0x2b3: {  	v3 =	vld [tilespmem:$0x200];
	_ =	sdelay $0x4  }
0x2b4: {  	v32 =	vshrl.u32 v3, $0x3  }
0x2b5: {  	v4 =	vmul.u32 $0x30, v32  }
0x2b6: {  	v3 =	vand.u32 $0x7, v3  }
0x2b7: {  	v3 =	vor.u32 v3, v4  }
0x2b8: {  	v4 =	vperm.xlane v3, v0;
	_ =	sdelay $0x1  }
0x2b9: {  	v4 =	vadd.s32 v1, v4;
	_ =	sdelay $0x3  }
0x2ba: {  	v3 =	vperm.xlane v3, v2  }
0x2bb: {  	[tilespmem:s12], [sflag:$0x1] =	stream.indirect_vreg.gather [hbm4b:s4+s2], $0x80, v4, vm0, $0xb8;
	[tilespmem:$0x18400] =	vst v63  }
0x2bc: {  	s11 =	simm.s32 $0xC00;
	v3 =	vadd.s32 v1, v3  }
0x2bd: {  	[tilespmem:s11], [sflag:$0x1] =	stream.indirect_vreg.gather [hbm4b:s5+s2], $0x80, v4, vm0, $0xb8;
	[tilespmem:$0x18400] =	vst v63  }
0x2be: {  	s11 =	simm.s32 $0x1400  }
0x2bf: {  	[tilespmem:s11], [sflag:$0x1] =	stream.indirect_vreg.gather [hbm4b:s6+s2], $0x80, v4, vm0, $0xb8;
	[tilespmem:$0x18400] =	vst v63  }
0x2c0: {  	s7 =	simm.s32 $0x1C00  }
0x2c1: {  	[tilespmem:s7], [sflag:$0x1] =	stream.indirect_vreg.gather [hbm4b:s4+s2], $0x80, v3, vm0, $0xb8;
	[tilespmem:$0x18400] =	vst v63  }
0x2c2: {  	s1 =	simm.s32 $0x2400  }
0x2c3: {  	[tilespmem:s1], [sflag:$0x1] =	stream.indirect_vreg.gather [hbm4b:s5+s2], $0x80, v3, vm0, $0xb8;
	[tilespmem:$0x18400] =	vst v63  }
0x2c4: {  	s11 =	simm.s32 $0x2C00  }
0x2c5: {  	[tilespmem:s11], [sflag:$0x1] =	stream.indirect_vreg.gather [hbm4b:s6+s2], $0x80, v3, vm0, $0xb8;
	[tilespmem:$0x18400] =	vst v63  }
0x2c6: {  	v3 =	vld [tilespmem:$0x210];
	_ =	sdelay $0x4  }
0x2c7: {  	v33 =	vshrl.u32 v3, $0x3  }
0x2c8: {  	v4 =	vmul.u32 $0x30, v33  }
0x2c9: {  	v3 =	vand.u32 $0x7, v3  }
0x2ca: {  	v3 =	vor.u32 v3, v4  }
0x2cb: {  	v4 =	vperm.xlane v3, v0;
	_ =	sdelay $0x1  }
0x2cc: {  	v4 =	vadd.s32 v1, v4;
	_ =	sdelay $0x3  }
0x2cd: {  	s11 =	simm.s32 $0x3400;
	v3 =	vperm.xlane v3, v2  }
0x2ce: {  	[tilespmem:s11], [sflag:$0x1] =	stream.indirect_vreg.gather [hbm4b:s4+s2], $0x80, v4, vm0, $0xb8;
	[tilespmem:$0x18400] =	vst v63  }
0x2cf: {  	s0 =	simm.s32 $0x3C00;
	v3 =	vadd.s32 v1, v3  }
0x2d0: {  	[tilespmem:s0], [sflag:$0x1] =	stream.indirect_vreg.gather [hbm4b:s5+s2], $0x80, v4, vm0, $0xb8;
	[tilespmem:$0x18400] =	vst v63  }
0x2d1: {  	s9 =	simm.s32 $0x4400  }
0x2d2: {  	[tilespmem:s9], [sflag:$0x1] =	stream.indirect_vreg.gather [hbm4b:s6+s2], $0x80, v4, vm0, $0xb8;
	[tilespmem:$0x18400] =	vst v63  }
0x2d3: {  	s13 =	simm.s32 $0x4C00  }
0x2d4: {  	[tilespmem:s13], [sflag:$0x1] =	stream.indirect_vreg.gather [hbm4b:s4+s2], $0x80, v3, vm0, $0xb8;
	[tilespmem:$0x18400] =	vst v63  }
0x2d5: {  	s14 =	simm.s32 $0x5400  }
0x2d6: {  	[tilespmem:s14], [sflag:$0x1] =	stream.indirect_vreg.gather [hbm4b:s5+s2], $0x80, v3, vm0, $0xb8;
	[tilespmem:$0x18400] =	vst v63  }
0x2d7: {  	s14 =	simm.s32 $0x5C00  }
0x2d8: {  	[tilespmem:s14], [sflag:$0x1] =	stream.indirect_vreg.gather [hbm4b:s6+s2], $0x80, v3, vm0, $0xb8;
	[tilespmem:$0x18400] =	vst v63  }
0x2d9: {  	v3 =	vld [tilespmem:$0x220];
	_ =	sdelay $0x4  }
0x2da: {  	v34 =	vshrl.u32 v3, $0x3  }
0x2db: {  	v4 =	vmul.u32 $0x30, v34  }
0x2dc: {  	v3 =	vand.u32 $0x7, v3  }
0x2dd: {  	v3 =	vor.u32 v3, v4  }
0x2de: {  	v4 =	vperm.xlane v3, v0;
	_ =	sdelay $0x1  }
0x2df: {  	v4 =	vadd.s32 v1, v4;
	_ =	sdelay $0x3  }
0x2e0: {  	s14 =	simm.s32 $0x6400;
	v3 =	vperm.xlane v3, v2  }
0x2e1: {  	[tilespmem:s14], [sflag:$0x1] =	stream.indirect_vreg.gather [hbm4b:s4+s2], $0x80, v4, vm0, $0xb8;
	[tilespmem:$0x18400] =	vst v63  }
0x2e2: {  	s15 =	simm.s32 $0x6C00;
	v3 =	vadd.s32 v1, v3  }
0x2e3: {  	[tilespmem:s15], [sflag:$0x1] =	stream.indirect_vreg.gather [hbm4b:s5+s2], $0x80, v4, vm0, $0xb8;
	[tilespmem:$0x18400] =	vst v63  }
0x2e4: {  	s16 =	simm.s32 $0x7400  }
0x2e5: {  	[tilespmem:s16], [sflag:$0x1] =	stream.indirect_vreg.gather [hbm4b:s6+s2], $0x80, v4, vm0, $0xb8;
	[tilespmem:$0x18400] =	vst v63  }
0x2e6: {  	s17 =	simm.s32 $0x7C00  }
0x2e7: {  	[tilespmem:s17], [sflag:$0x1] =	stream.indirect_vreg.gather [hbm4b:s4+s2], $0x80, v3, vm0, $0xb8;
	[tilespmem:$0x18400] =	vst v63  }
0x2e8: {  	s18 =	simm.s32 $0x8400  }
0x2e9: {  	[tilespmem:s18], [sflag:$0x1] =	stream.indirect_vreg.gather [hbm4b:s5+s2], $0x80, v3, vm0, $0xb8;
	[tilespmem:$0x18400] =	vst v63  }
0x2ea: {  	s18 =	simm.s32 $0x8C00  }
0x2eb: {  	[tilespmem:s18], [sflag:$0x1] =	stream.indirect_vreg.gather [hbm4b:s6+s2], $0x80, v3, vm0, $0xb8;
	[tilespmem:$0x18400] =	vst v63  }
0x2ec: {  	v3 =	vld [tilespmem:$0x230];
	_ =	sdelay $0x4  }
0x2ed: {  	v35 =	vshrl.u32 v3, $0x3  }
0x2ee: {  	v4 =	vmul.u32 $0x30, v35  }
0x2ef: {  	v3 =	vand.u32 $0x7, v3  }
0x2f0: {  	v3 =	vor.u32 v3, v4  }
0x2f1: {  	v4 =	vperm.xlane v3, v0;
	_ =	sdelay $0x1  }
0x2f2: {  	v4 =	vadd.s32 v1, v4;
	_ =	sdelay $0x3  }
0x2f3: {  	s18 =	simm.s32 $0x9400;
	v3 =	vperm.xlane v3, v2  }
0x2f4: {  	[tilespmem:s18], [sflag:$0x1] =	stream.indirect_vreg.gather [hbm4b:s4+s2], $0x80, v4, vm0, $0xb8;
	[tilespmem:$0x18400] =	vst v63  }
0x2f5: {  	s19 =	simm.s32 $0x9C00;
	v3 =	vadd.s32 v1, v3  }
0x2f6: {  	[tilespmem:s19], [sflag:$0x1] =	stream.indirect_vreg.gather [hbm4b:s5+s2], $0x80, v4, vm0, $0xb8;
	[tilespmem:$0x18400] =	vst v63  }
0x2f7: {  	s20 =	simm.s32 $0xA400  }
0x2f8: {  	[tilespmem:s20], [sflag:$0x1] =	stream.indirect_vreg.gather [hbm4b:s6+s2], $0x80, v4, vm0, $0xb8;
	[tilespmem:$0x18400] =	vst v63  }
0x2f9: {  	s21 =	simm.s32 $0xAC00  }
0x2fa: {  	[tilespmem:s21], [sflag:$0x1] =	stream.indirect_vreg.gather [hbm4b:s4+s2], $0x80, v3, vm0, $0xb8;
	[tilespmem:$0x18400] =	vst v63  }
0x2fb: {  	s22 =	simm.s32 $0xB400  }
0x2fc: {  	[tilespmem:s22], [sflag:$0x1] =	stream.indirect_vreg.gather [hbm4b:s5+s2], $0x80, v3, vm0, $0xb8;
	[tilespmem:$0x18400] =	vst v63  }
0x2fd: {  	s22 =	simm.s32 $0xBC00  }
0x2fe: {  	[tilespmem:s22], [sflag:$0x1] =	stream.indirect_vreg.gather [hbm4b:s6+s2], $0x80, v3, vm0, $0xb8;
	[tilespmem:$0x18400] =	vst v63  }
0x2ff: {  	_ =	swait.ge [sflag:s3], $0xC000  }
0x300: {  	[sflag:s3] =	ssyncset.done $0x0  }
0x301: {  	s22 =	rddreg [dreg:$0xb];
	[sflag:s3] =	ssyncadd.s32 $0xFFFF4000  }
0x302: {  	[hbm4b:s22+s2] =	stream.linear.scatter [tilespmem:s12], [sflag:$0x2], $0xC000, $0x38;
	[tilespmem:$0x18400] =	vst v63  }
0x303: {  	_ =	swait.ge [sflag:s10], $0xC000  }
0x304: {  	[sflag:s10] =	ssyncset.done $0x0  }
0x305: {  	[sflag:s10] =	ssyncadd.s32 $0xFFFF4000  }
0x306: {  	v3 =	vld [tilespmem:$0x240];
	_ =	sdelay $0x4  }
0x307: {  	v36 =	vshrl.u32 v3, $0x3  }
0x308: {  	v4 =	vmul.u32 $0x30, v36  }
0x309: {  	v3 =	vand.u32 $0x7, v3  }
0x30a: {  	v3 =	vor.u32 v3, v4  }
0x30b: {  	v4 =	vperm.xlane v3, v0;
	_ =	sdelay $0x1  }
0x30c: {  	v4 =	vadd.s32 v1, v4;
	_ =	sdelay $0x3  }
0x30d: {  	v3 =	vperm.xlane v3, v2  }
0x30e: {  	[tilespmem:s8], [sflag:$0x1] =	stream.indirect_vreg.gather [hbm4b:s4+s2], $0x80, v4, vm0, $0xb8;
	[tilespmem:$0x18400] =	vst v63  }
0x30f: {  	s23 =	simm.s32 $0xCC00;
	v3 =	vadd.s32 v1, v3  }
0x310: {  	[tilespmem:s23], [sflag:$0x1] =	stream.indirect_vreg.gather [hbm4b:s5+s2], $0x80, v4, vm0, $0xb8;
	[tilespmem:$0x18400] =	vst v63  }
0x311: {  	s24 =	simm.s32 $0xD400  }
0x312: {  	[tilespmem:s24], [sflag:$0x1] =	stream.indirect_vreg.gather [hbm4b:s6+s2], $0x80, v4, vm0, $0xb8;
	[tilespmem:$0x18400] =	vst v63  }
0x313: {  	s25 =	simm.s32 $0xDC00  }
0x314: {  	[tilespmem:s25], [sflag:$0x1] =	stream.indirect_vreg.gather [hbm4b:s4+s2], $0x80, v3, vm0, $0xb8;
	[tilespmem:$0x18400] =	vst v63  }
0x315: {  	s25 =	simm.s32 $0xE400  }
0x316: {  	[tilespmem:s25], [sflag:$0x1] =	stream.indirect_vreg.gather [hbm4b:s5+s2], $0x80, v3, vm0, $0xb8;
	[tilespmem:$0x18400] =	vst v63  }
0x317: {  	s11 =	simm.s32 $0xEC00  }
0x318: {  	[tilespmem:s11], [sflag:$0x1] =	stream.indirect_vreg.gather [hbm4b:s6+s2], $0x80, v3, vm0, $0xb8;
	[tilespmem:$0x18400] =	vst v63  }
0x319: {  	v3 =	vld [tilespmem:$0x250];
	_ =	sdelay $0x4  }
0x31a: {  	v37 =	vshrl.u32 v3, $0x3  }
0x31b: {  	v4 =	vmul.u32 $0x30, v37  }
0x31c: {  	v3 =	vand.u32 $0x7, v3  }
0x31d: {  	v3 =	vor.u32 v3, v4  }
0x31e: {  	v4 =	vperm.xlane v3, v0;
	_ =	sdelay $0x1  }
0x31f: {  	v4 =	vadd.s32 v1, v4;
	_ =	sdelay $0x3  }
0x320: {  	s11 =	simm.s32 $0xF400;
	v3 =	vperm.xlane v3, v2  }
0x321: {  	[tilespmem:s11], [sflag:$0x1] =	stream.indirect_vreg.gather [hbm4b:s4+s2], $0x80, v4, vm0, $0xb8;
	[tilespmem:$0x18400] =	vst v63  }
0x322: {  	s26 =	simm.s32 $0xFC00;
	v3 =	vadd.s32 v1, v3  }
0x323: {  	[tilespmem:s26], [sflag:$0x1] =	stream.indirect_vreg.gather [hbm4b:s5+s2], $0x80, v4, vm0, $0xb8;
	[tilespmem:$0x18400] =	vst v63  }
0x324: {  	s11 =	simm.s32 $0x10400  }
0x325: {  	[tilespmem:s11], [sflag:$0x1] =	stream.indirect_vreg.gather [hbm4b:s6+s2], $0x80, v4, vm0, $0xb8;
	[tilespmem:$0x18400] =	vst v63  }
0x326: {  	s11 =	simm.s32 $0x10C00  }
0x327: {  	[tilespmem:s11], [sflag:$0x1] =	stream.indirect_vreg.gather [hbm4b:s4+s2], $0x80, v3, vm0, $0xb8;
	[tilespmem:$0x18400] =	vst v63  }
0x328: {  	s11 =	simm.s32 $0x11400  }
0x329: {  	[tilespmem:s11], [sflag:$0x1] =	stream.indirect_vreg.gather [hbm4b:s5+s2], $0x80, v3, vm0, $0xb8;
	[tilespmem:$0x18400] =	vst v63  }
0x32a: {  	s11 =	simm.s32 $0x11C00  }
0x32b: {  	[tilespmem:s11], [sflag:$0x1] =	stream.indirect_vreg.gather [hbm4b:s6+s2], $0x80, v3, vm0, $0xb8;
	[tilespmem:$0x18400] =	vst v63  }
0x32c: {  	v3 =	vld [tilespmem:$0x260];
	_ =	sdelay $0x4  }
0x32d: {  	v38 =	vshrl.u32 v3, $0x3  }
0x32e: {  	v4 =	vmul.u32 $0x30, v38  }
0x32f: {  	v3 =	vand.u32 $0x7, v3  }
0x330: {  	v3 =	vor.u32 v3, v4  }
0x331: {  	v4 =	vperm.xlane v3, v0;
	_ =	sdelay $0x1  }
0x332: {  	v4 =	vadd.s32 v1, v4;
	_ =	sdelay $0x3  }
0x333: {  	s11 =	simm.s32 $0x12400;
	v3 =	vperm.xlane v3, v2  }
0x334: {  	[tilespmem:s11], [sflag:$0x1] =	stream.indirect_vreg.gather [hbm4b:s4+s2], $0x80, v4, vm0, $0xb8;
	[tilespmem:$0x18400] =	vst v63  }
0x335: {  	s28 =	simm.s32 $0x12C00;
	v3 =	vadd.s32 v1, v3  }
0x336: {  	[tilespmem:s28], [sflag:$0x1] =	stream.indirect_vreg.gather [hbm4b:s5+s2], $0x80, v4, vm0, $0xb8;
	[tilespmem:$0x18400] =	vst v63  }
0x337: {  	s29 =	simm.s32 $0x13400  }
0x338: {  	[tilespmem:s29], [sflag:$0x1] =	stream.indirect_vreg.gather [hbm4b:s6+s2], $0x80, v4, vm0, $0xb8;
	[tilespmem:$0x18400] =	vst v63  }
0x339: {  	s11 =	simm.s32 $0x13C00  }
0x33a: {  	[tilespmem:s11], [sflag:$0x1] =	stream.indirect_vreg.gather [hbm4b:s4+s2], $0x80, v3, vm0, $0xb8;
	[tilespmem:$0x18400] =	vst v63  }
0x33b: {  	s11 =	simm.s32 $0x14400  }
0x33c: {  	[tilespmem:s11], [sflag:$0x1] =	stream.indirect_vreg.gather [hbm4b:s5+s2], $0x80, v3, vm0, $0xb8;
	[tilespmem:$0x18400] =	vst v63  }
0x33d: {  	s11 =	simm.s32 $0x14C00  }
0x33e: {  	[tilespmem:s11], [sflag:$0x1] =	stream.indirect_vreg.gather [hbm4b:s6+s2], $0x80, v3, vm0, $0xb8;
	[tilespmem:$0x18400] =	vst v63  }
0x33f: {  	v3 =	vld [tilespmem:$0x270];
	_ =	sdelay $0x4  }
0x340: {  	v39 =	vshrl.u32 v3, $0x3  }
0x341: {  	v4 =	vmul.u32 $0x30, v39  }
0x342: {  	v3 =	vand.u32 $0x7, v3  }
0x343: {  	v3 =	vor.u32 v3, v4  }
0x344: {  	v4 =	vperm.xlane v3, v0;
	_ =	sdelay $0x1  }
0x345: {  	v4 =	vadd.s32 v1, v4;
	_ =	sdelay $0x3  }
0x346: {  	s11 =	simm.s32 $0x15400;
	v3 =	vperm.xlane v3, v2  }
0x347: {  	[tilespmem:s11], [sflag:$0x1] =	stream.indirect_vreg.gather [hbm4b:s4+s2], $0x80, v4, vm0, $0xb8;
	[tilespmem:$0x18400] =	vst v63  }
0x348: {  	s30 =	simm.s32 $0x15C00;
	v3 =	vadd.s32 v1, v3  }
0x349: {  	[tilespmem:s30], [sflag:$0x1] =	stream.indirect_vreg.gather [hbm4b:s5+s2], $0x80, v4, vm0, $0xb8;
	[tilespmem:$0x18400] =	vst v63  }
0x34a: {  	s31 =	simm.s32 $0x16400  }
0x34b: {  	[tilespmem:s31], [sflag:$0x1] =	stream.indirect_vreg.gather [hbm4b:s6+s2], $0x80, v4, vm0, $0xb8;
	[tilespmem:$0x18400] =	vst v63  }
0x34c: {  	s11 =	simm.s32 $0x16C00  }
0x34d: {  	[tilespmem:s11], [sflag:$0x1] =	stream.indirect_vreg.gather [hbm4b:s4+s2], $0x80, v3, vm0, $0xb8;
	[tilespmem:$0x18400] =	vst v63  }
0x34e: {  	s11 =	simm.s32 $0x17400  }
0x34f: {  	[tilespmem:s11], [sflag:$0x1] =	stream.indirect_vreg.gather [hbm4b:s5+s2], $0x80, v3, vm0, $0xb8;
	[tilespmem:$0x18400] =	vst v63  }
0x350: {  	s11 =	simm.s32 $0x17C00  }
0x351: {  	[tilespmem:s11], [sflag:$0x1] =	stream.indirect_vreg.gather [hbm4b:s6+s2], $0x80, v3, vm0, $0xb8;
	[tilespmem:$0x18400] =	vst v63  }
0x352: {  	_ =	swait.ge [sflag:s3], $0xC000  }
0x353: {  	[sflag:s3] =	ssyncset.done $0x0  }
0x354: {  	s11 =	rddreg [dreg:$0xc];
	[sflag:s3] =	ssyncadd.s32 $0xFFFF4000  }
0x355: {  	[hbm4b:s11+s2] =	stream.linear.scatter [tilespmem:s8], [sflag:$0x2], $0xC000, $0x38;
	[tilespmem:$0x18400] =	vst v63  }
0x356: {  	_ =	swait.ge [sflag:s10], $0xC000  }
0x357: {  	[sflag:s10] =	ssyncset.done $0x0  }
0x358: {  	[sflag:s10] =	ssyncadd.s32 $0xFFFF4000  }
0x359: {  	v3 =	vld [tilespmem:$0x280];
	_ =	sdelay $0x4  }
0x35a: {  	v40 =	vshrl.u32 v3, $0x3  }
0x35b: {  	v4 =	vmul.u32 $0x30, v40  }
0x35c: {  	v3 =	vand.u32 $0x7, v3  }
0x35d: {  	v3 =	vor.u32 v3, v4  }
0x35e: {  	v4 =	vperm.xlane v3, v0;
	_ =	sdelay $0x1  }
0x35f: {  	v4 =	vadd.s32 v1, v4;
	_ =	sdelay $0x3  }
0x360: {  	v3 =	vperm.xlane v3, v2  }
0x361: {  	[tilespmem:s12], [sflag:$0x1] =	stream.indirect_vreg.gather [hbm4b:s4+s2], $0x80, v4, vm0, $0xb8;
	[tilespmem:$0x18400] =	vst v63  }
0x362: {  	s11 =	simm.s32 $0xC00;
	v3 =	vadd.s32 v1, v3  }
0x363: {  	[tilespmem:s11], [sflag:$0x1] =	stream.indirect_vreg.gather [hbm4b:s5+s2], $0x80, v4, vm0, $0xb8;
	[tilespmem:$0x18400] =	vst v63  }
0x364: {  	s11 =	simm.s32 $0x1400  }
0x365: {  	[tilespmem:s11], [sflag:$0x1] =	stream.indirect_vreg.gather [hbm4b:s6+s2], $0x80, v4, vm0, $0xb8;
	[tilespmem:$0x18400] =	vst v63  }
0x366: {  	s11 =	simm.s32 $0x1C00  }
0x367: {  	[tilespmem:s11], [sflag:$0x1] =	stream.indirect_vreg.gather [hbm4b:s4+s2], $0x80, v3, vm0, $0xb8;
	[tilespmem:$0x18400] =	vst v63  }
0x368: {  	s7 =	simm.s32 $0x2400  }
0x369: {  	[tilespmem:s7], [sflag:$0x1] =	stream.indirect_vreg.gather [hbm4b:s5+s2], $0x80, v3, vm0, $0xb8;
	[tilespmem:$0x18400] =	vst v63  }
0x36a: {  	s11 =	simm.s32 $0x2C00  }
0x36b: {  	[tilespmem:s11], [sflag:$0x1] =	stream.indirect_vreg.gather [hbm4b:s6+s2], $0x80, v3, vm0, $0xb8;
	[tilespmem:$0x18400] =	vst v63  }
0x36c: {  	v3 =	vld [tilespmem:$0x290];
	_ =	sdelay $0x4  }
0x36d: {  	v41 =	vshrl.u32 v3, $0x3  }
0x36e: {  	v4 =	vmul.u32 $0x30, v41  }
0x36f: {  	v3 =	vand.u32 $0x7, v3  }
0x370: {  	v3 =	vor.u32 v3, v4  }
0x371: {  	v4 =	vperm.xlane v3, v0;
	_ =	sdelay $0x1  }
0x372: {  	v4 =	vadd.s32 v1, v4;
	_ =	sdelay $0x3  }
0x373: {  	s11 =	simm.s32 $0x3400;
	v3 =	vperm.xlane v3, v2  }
0x374: {  	[tilespmem:s11], [sflag:$0x1] =	stream.indirect_vreg.gather [hbm4b:s4+s2], $0x80, v4, vm0, $0xb8;
	[tilespmem:$0x18400] =	vst v63  }
0x375: {  	s0 =	simm.s32 $0x3C00;
	v3 =	vadd.s32 v1, v3  }
0x376: {  	[tilespmem:s0], [sflag:$0x1] =	stream.indirect_vreg.gather [hbm4b:s5+s2], $0x80, v4, vm0, $0xb8;
	[tilespmem:$0x18400] =	vst v63  }
0x377: {  	s1 =	simm.s32 $0x4400  }
0x378: {  	[tilespmem:s1], [sflag:$0x1] =	stream.indirect_vreg.gather [hbm4b:s6+s2], $0x80, v4, vm0, $0xb8;
	[tilespmem:$0x18400] =	vst v63  }
0x379: {  	s9 =	simm.s32 $0x4C00  }
0x37a: {  	[tilespmem:s9], [sflag:$0x1] =	stream.indirect_vreg.gather [hbm4b:s4+s2], $0x80, v3, vm0, $0xb8;
	[tilespmem:$0x18400] =	vst v63  }
0x37b: {  	s13 =	simm.s32 $0x5400  }
0x37c: {  	[tilespmem:s13], [sflag:$0x1] =	stream.indirect_vreg.gather [hbm4b:s5+s2], $0x80, v3, vm0, $0xb8;
	[tilespmem:$0x18400] =	vst v63  }
0x37d: {  	s11 =	simm.s32 $0x5C00  }
0x37e: {  	[tilespmem:s11], [sflag:$0x1] =	stream.indirect_vreg.gather [hbm4b:s6+s2], $0x80, v3, vm0, $0xb8;
	[tilespmem:$0x18400] =	vst v63  }
0x37f: {  	v3 =	vld [tilespmem:$0x2A0];
	_ =	sdelay $0x4  }
0x380: {  	v42 =	vshrl.u32 v3, $0x3  }
0x381: {  	v4 =	vmul.u32 $0x30, v42  }
0x382: {  	v3 =	vand.u32 $0x7, v3  }
0x383: {  	v3 =	vor.u32 v3, v4  }
0x384: {  	v4 =	vperm.xlane v3, v0;
	_ =	sdelay $0x1  }
0x385: {  	v4 =	vadd.s32 v1, v4;
	_ =	sdelay $0x3  }
0x386: {  	s13 =	simm.s32 $0x6400;
	v3 =	vperm.xlane v3, v2  }
0x387: {  	[tilespmem:s13], [sflag:$0x1] =	stream.indirect_vreg.gather [hbm4b:s4+s2], $0x80, v4, vm0, $0xb8;
	[tilespmem:$0x18400] =	vst v63  }
0x388: {  	s14 =	simm.s32 $0x6C00;
	v3 =	vadd.s32 v1, v3  }
0x389: {  	[tilespmem:s14], [sflag:$0x1] =	stream.indirect_vreg.gather [hbm4b:s5+s2], $0x80, v4, vm0, $0xb8;
	[tilespmem:$0x18400] =	vst v63  }
0x38a: {  	s15 =	simm.s32 $0x7400  }
0x38b: {  	[tilespmem:s15], [sflag:$0x1] =	stream.indirect_vreg.gather [hbm4b:s6+s2], $0x80, v4, vm0, $0xb8;
	[tilespmem:$0x18400] =	vst v63  }
0x38c: {  	s16 =	simm.s32 $0x7C00  }
0x38d: {  	[tilespmem:s16], [sflag:$0x1] =	stream.indirect_vreg.gather [hbm4b:s4+s2], $0x80, v3, vm0, $0xb8;
	[tilespmem:$0x18400] =	vst v63  }
0x38e: {  	s17 =	simm.s32 $0x8400  }
0x38f: {  	[tilespmem:s17], [sflag:$0x1] =	stream.indirect_vreg.gather [hbm4b:s5+s2], $0x80, v3, vm0, $0xb8;
	[tilespmem:$0x18400] =	vst v63  }
0x390: {  	s16 =	simm.s32 $0x8C00  }
0x391: {  	[tilespmem:s16], [sflag:$0x1] =	stream.indirect_vreg.gather [hbm4b:s6+s2], $0x80, v3, vm0, $0xb8;
	[tilespmem:$0x18400] =	vst v63  }
0x392: {  	v3 =	vld [tilespmem:$0x2B0];
	_ =	sdelay $0x4  }
0x393: {  	v43 =	vshrl.u32 v3, $0x3  }
0x394: {  	v4 =	vmul.u32 $0x30, v43  }
0x395: {  	v3 =	vand.u32 $0x7, v3  }
0x396: {  	v3 =	vor.u32 v3, v4  }
0x397: {  	v4 =	vperm.xlane v3, v0;
	_ =	sdelay $0x1  }
0x398: {  	v4 =	vadd.s32 v1, v4;
	_ =	sdelay $0x3  }
0x399: {  	s17 =	simm.s32 $0x9400;
	v3 =	vperm.xlane v3, v2  }
0x39a: {  	[tilespmem:s17], [sflag:$0x1] =	stream.indirect_vreg.gather [hbm4b:s4+s2], $0x80, v4, vm0, $0xb8;
	[tilespmem:$0x18400] =	vst v63  }
0x39b: {  	s18 =	simm.s32 $0x9C00;
	v3 =	vadd.s32 v1, v3  }
0x39c: {  	[tilespmem:s18], [sflag:$0x1] =	stream.indirect_vreg.gather [hbm4b:s5+s2], $0x80, v4, vm0, $0xb8;
	[tilespmem:$0x18400] =	vst v63  }
0x39d: {  	s19 =	simm.s32 $0xA400  }
0x39e: {  	[tilespmem:s19], [sflag:$0x1] =	stream.indirect_vreg.gather [hbm4b:s6+s2], $0x80, v4, vm0, $0xb8;
	[tilespmem:$0x18400] =	vst v63  }
0x39f: {  	s20 =	simm.s32 $0xAC00  }
0x3a0: {  	[tilespmem:s20], [sflag:$0x1] =	stream.indirect_vreg.gather [hbm4b:s4+s2], $0x80, v3, vm0, $0xb8;
	[tilespmem:$0x18400] =	vst v63  }
0x3a1: {  	s21 =	simm.s32 $0xB400  }
0x3a2: {  	[tilespmem:s21], [sflag:$0x1] =	stream.indirect_vreg.gather [hbm4b:s5+s2], $0x80, v3, vm0, $0xb8;
	[tilespmem:$0x18400] =	vst v63  }
0x3a3: {  	s21 =	simm.s32 $0xBC00  }
0x3a4: {  	[tilespmem:s21], [sflag:$0x1] =	stream.indirect_vreg.gather [hbm4b:s6+s2], $0x80, v3, vm0, $0xb8;
	[tilespmem:$0x18400] =	vst v63  }
0x3a5: {  	_ =	swait.ge [sflag:s3], $0xC000  }
0x3a6: {  	[sflag:s3] =	ssyncset.done $0x0  }
0x3a7: {  	s1 =	rddreg [dreg:$0xd];
	[sflag:s3] =	ssyncadd.s32 $0xFFFF4000  }
0x3a8: {  	[hbm4b:s1+s2] =	stream.linear.scatter [tilespmem:s12], [sflag:$0x2], $0xC000, $0x38;
	[tilespmem:$0x18400] =	vst v63  }
0x3a9: {  	_ =	swait.ge [sflag:s10], $0xC000  }
0x3aa: {  	[sflag:s10] =	ssyncset.done $0x0  }
0x3ab: {  	[sflag:s10] =	ssyncadd.s32 $0xFFFF4000  }
0x3ac: {  	v3 =	vld [tilespmem:$0x2C0];
	_ =	sdelay $0x4  }
0x3ad: {  	v44 =	vshrl.u32 v3, $0x3  }
0x3ae: {  	v4 =	vmul.u32 $0x30, v44  }
0x3af: {  	v3 =	vand.u32 $0x7, v3  }
0x3b0: {  	v3 =	vor.u32 v3, v4  }
0x3b1: {  	v4 =	vperm.xlane v3, v0;
	_ =	sdelay $0x1  }
0x3b2: {  	v4 =	vadd.s32 v1, v4;
	_ =	sdelay $0x3  }
0x3b3: {  	v3 =	vperm.xlane v3, v2  }
0x3b4: {  	[tilespmem:s8], [sflag:$0x1] =	stream.indirect_vreg.gather [hbm4b:s4+s2], $0x80, v4, vm0, $0xb8;
	[tilespmem:$0x18400] =	vst v63  }
0x3b5: {  	s22 =	simm.s32 $0xCC00;
	v3 =	vadd.s32 v1, v3  }
0x3b6: {  	[tilespmem:s22], [sflag:$0x1] =	stream.indirect_vreg.gather [hbm4b:s5+s2], $0x80, v4, vm0, $0xb8;
	[tilespmem:$0x18400] =	vst v63  }
0x3b7: {  	s23 =	simm.s32 $0xD400  }
0x3b8: {  	[tilespmem:s23], [sflag:$0x1] =	stream.indirect_vreg.gather [hbm4b:s6+s2], $0x80, v4, vm0, $0xb8;
	[tilespmem:$0x18400] =	vst v63  }
0x3b9: {  	s24 =	simm.s32 $0xDC00  }
0x3ba: {  	[tilespmem:s24], [sflag:$0x1] =	stream.indirect_vreg.gather [hbm4b:s4+s2], $0x80, v3, vm0, $0xb8;
	[tilespmem:$0x18400] =	vst v63  }
0x3bb: {  	s25 =	simm.s32 $0xE400  }
0x3bc: {  	[tilespmem:s25], [sflag:$0x1] =	stream.indirect_vreg.gather [hbm4b:s5+s2], $0x80, v3, vm0, $0xb8;
	[tilespmem:$0x18400] =	vst v63  }
0x3bd: {  	s7 =	simm.s32 $0xEC00  }
0x3be: {  	[tilespmem:s7], [sflag:$0x1] =	stream.indirect_vreg.gather [hbm4b:s6+s2], $0x80, v3, vm0, $0xb8;
	[tilespmem:$0x18400] =	vst v63  }
0x3bf: {  	v3 =	vld [tilespmem:$0x2D0];
	_ =	sdelay $0x4  }
0x3c0: {  	v45 =	vshrl.u32 v3, $0x3  }
0x3c1: {  	v4 =	vmul.u32 $0x30, v45  }
0x3c2: {  	v3 =	vand.u32 $0x7, v3  }
0x3c3: {  	v3 =	vor.u32 v3, v4  }
0x3c4: {  	v4 =	vperm.xlane v3, v0;
	_ =	sdelay $0x1  }
0x3c5: {  	v4 =	vadd.s32 v1, v4;
	_ =	sdelay $0x3  }
0x3c6: {  	s9 =	simm.s32 $0xF400;
	v3 =	vperm.xlane v3, v2  }
0x3c7: {  	[tilespmem:s9], [sflag:$0x1] =	stream.indirect_vreg.gather [hbm4b:s4+s2], $0x80, v4, vm0, $0xb8;
	[tilespmem:$0x18400] =	vst v63  }
0x3c8: {  	s26 =	simm.s32 $0xFC00;
	v3 =	vadd.s32 v1, v3  }
0x3c9: {  	[tilespmem:s26], [sflag:$0x1] =	stream.indirect_vreg.gather [hbm4b:s5+s2], $0x80, v4, vm0, $0xb8;
	[tilespmem:$0x18400] =	vst v63  }
0x3ca: {  	s11 =	simm.s32 $0x10400  }
0x3cb: {  	[tilespmem:s11], [sflag:$0x1] =	stream.indirect_vreg.gather [hbm4b:s6+s2], $0x80, v4, vm0, $0xb8;
	[tilespmem:$0x18400] =	vst v63  }
0x3cc: {  	s13 =	simm.s32 $0x10C00  }
0x3cd: {  	[tilespmem:s13], [sflag:$0x1] =	stream.indirect_vreg.gather [hbm4b:s4+s2], $0x80, v3, vm0, $0xb8;
	[tilespmem:$0x18400] =	vst v63  }
0x3ce: {  	s14 =	simm.s32 $0x11400  }
0x3cf: {  	[tilespmem:s14], [sflag:$0x1] =	stream.indirect_vreg.gather [hbm4b:s5+s2], $0x80, v3, vm0, $0xb8;
	[tilespmem:$0x18400] =	vst v63  }
0x3d0: {  	s15 =	simm.s32 $0x11C00  }
0x3d1: {  	[tilespmem:s15], [sflag:$0x1] =	stream.indirect_vreg.gather [hbm4b:s6+s2], $0x80, v3, vm0, $0xb8;
	[tilespmem:$0x18400] =	vst v63  }
0x3d2: {  	v3 =	vld [tilespmem:$0x2E0];
	_ =	sdelay $0x4  }
0x3d3: {  	v46 =	vshrl.u32 v3, $0x3  }
0x3d4: {  	v4 =	vmul.u32 $0x30, v46  }
0x3d5: {  	v3 =	vand.u32 $0x7, v3  }
0x3d6: {  	v3 =	vor.u32 v3, v4  }
0x3d7: {  	v4 =	vperm.xlane v3, v0;
	_ =	sdelay $0x1  }
0x3d8: {  	v4 =	vadd.s32 v1, v4;
	_ =	sdelay $0x3  }
0x3d9: {  	s16 =	simm.s32 $0x12400;
	v3 =	vperm.xlane v3, v2  }
0x3da: {  	[tilespmem:s16], [sflag:$0x1] =	stream.indirect_vreg.gather [hbm4b:s4+s2], $0x80, v4, vm0, $0xb8;
	[tilespmem:$0x18400] =	vst v63  }
0x3db: {  	s28 =	simm.s32 $0x12C00;
	v3 =	vadd.s32 v1, v3  }
0x3dc: {  	[tilespmem:s28], [sflag:$0x1] =	stream.indirect_vreg.gather [hbm4b:s5+s2], $0x80, v4, vm0, $0xb8;
	[tilespmem:$0x18400] =	vst v63  }
0x3dd: {  	s29 =	simm.s32 $0x13400  }
0x3de: {  	[tilespmem:s29], [sflag:$0x1] =	stream.indirect_vreg.gather [hbm4b:s6+s2], $0x80, v4, vm0, $0xb8;
	[tilespmem:$0x18400] =	vst v63  }
0x3df: {  	s17 =	simm.s32 $0x13C00  }
0x3e0: {  	[tilespmem:s17], [sflag:$0x1] =	stream.indirect_vreg.gather [hbm4b:s4+s2], $0x80, v3, vm0, $0xb8;
	[tilespmem:$0x18400] =	vst v63  }
0x3e1: {  	s18 =	simm.s32 $0x14400  }
0x3e2: {  	[tilespmem:s18], [sflag:$0x1] =	stream.indirect_vreg.gather [hbm4b:s5+s2], $0x80, v3, vm0, $0xb8;
	[tilespmem:$0x18400] =	vst v63  }
0x3e3: {  	s19 =	simm.s32 $0x14C00  }
0x3e4: {  	[tilespmem:s19], [sflag:$0x1] =	stream.indirect_vreg.gather [hbm4b:s6+s2], $0x80, v3, vm0, $0xb8;
	[tilespmem:$0x18400] =	vst v63  }
0x3e5: {  	v3 =	vld [tilespmem:$0x2F0];
	_ =	sdelay $0x4  }
0x3e6: {  	v47 =	vshrl.u32 v3, $0x3  }
0x3e7: {  	v4 =	vmul.u32 $0x30, v47  }
0x3e8: {  	v3 =	vand.u32 $0x7, v3  }
0x3e9: {  	v3 =	vor.u32 v3, v4  }
0x3ea: {  	v4 =	vperm.xlane v3, v0;
	_ =	sdelay $0x1  }
0x3eb: {  	v4 =	vadd.s32 v1, v4;
	_ =	sdelay $0x3  }
0x3ec: {  	s20 =	simm.s32 $0x15400;
	v3 =	vperm.xlane v3, v2  }
0x3ed: {  	[tilespmem:s20], [sflag:$0x1] =	stream.indirect_vreg.gather [hbm4b:s4+s2], $0x80, v4, vm0, $0xb8;
	[tilespmem:$0x18400] =	vst v63  }
0x3ee: {  	s30 =	simm.s32 $0x15C00;
	v3 =	vadd.s32 v1, v3  }
0x3ef: {  	[tilespmem:s30], [sflag:$0x1] =	stream.indirect_vreg.gather [hbm4b:s5+s2], $0x80, v4, vm0, $0xb8;
	[tilespmem:$0x18400] =	vst v63  }
0x3f0: {  	s31 =	simm.s32 $0x16400  }
0x3f1: {  	[tilespmem:s31], [sflag:$0x1] =	stream.indirect_vreg.gather [hbm4b:s6+s2], $0x80, v4, vm0, $0xb8;
	[tilespmem:$0x18400] =	vst v63  }
0x3f2: {  	s21 =	simm.s32 $0x16C00  }
0x3f3: {  	[tilespmem:s21], [sflag:$0x1] =	stream.indirect_vreg.gather [hbm4b:s4+s2], $0x80, v3, vm0, $0xb8;
	[tilespmem:$0x18400] =	vst v63  }
0x3f4: {  	s22 =	simm.s32 $0x17400  }
0x3f5: {  	[tilespmem:s22], [sflag:$0x1] =	stream.indirect_vreg.gather [hbm4b:s5+s2], $0x80, v3, vm0, $0xb8;
	[tilespmem:$0x18400] =	vst v63  }
0x3f6: {  	s23 =	simm.s32 $0x17C00  }
0x3f7: {  	[tilespmem:s23], [sflag:$0x1] =	stream.indirect_vreg.gather [hbm4b:s6+s2], $0x80, v3, vm0, $0xb8;
	[tilespmem:$0x18400] =	vst v63  }
0x3f8: {  	_ =	swait.ge [sflag:s3], $0xC000  }
0x3f9: {  	[sflag:s3] =	ssyncset.done $0x0  }
0x3fa: {  	s24 =	rddreg [dreg:$0xe];
	[sflag:s3] =	ssyncadd.s32 $0xFFFF4000  }
0x3fb: {  	[hbm4b:s24+s2] =	stream.linear.scatter [tilespmem:s8], [sflag:$0x2], $0xC000, $0x38;
	[tilespmem:$0x18400] =	vst v63  }
0x3fc: {  	_ =	swait.ge [sflag:s10], $0xC000  }
0x3fd: {  	[sflag:s10] =	ssyncset.done $0x0  }
0x3fe: {  	[sflag:s10] =	ssyncadd.s32 $0xFFFF4000  }
0x3ff: {  	v3 =	vld [tilespmem:$0x300];
	_ =	sdelay $0x4  }
0x400: {  	v48 =	vshrl.u32 v3, $0x3  }
0x401: {  	v4 =	vmul.u32 $0x30, v48  }
0x402: {  	v3 =	vand.u32 $0x7, v3  }
0x403: {  	v3 =	vor.u32 v3, v4  }
0x404: {  	v4 =	vperm.xlane v3, v0;
	_ =	sdelay $0x1  }
0x405: {  	v4 =	vadd.s32 v1, v4;
	_ =	sdelay $0x3  }
0x406: {  	v3 =	vperm.xlane v3, v2  }
0x407: {  	[tilespmem:s12], [sflag:$0x1] =	stream.indirect_vreg.gather [hbm4b:s4+s2], $0x80, v4, vm0, $0xb8;
	[tilespmem:$0x18400] =	vst v63  }
0x408: {  	s25 =	simm.s32 $0xC00;
	v3 =	vadd.s32 v1, v3  }
0x409: {  	[tilespmem:s25], [sflag:$0x1] =	stream.indirect_vreg.gather [hbm4b:s5+s2], $0x80, v4, vm0, $0xb8;
	[tilespmem:$0x18400] =	vst v63  }
0x40a: {  	s26 =	simm.s32 $0x1400  }
0x40b: {  	[tilespmem:s26], [sflag:$0x1] =	stream.indirect_vreg.gather [hbm4b:s6+s2], $0x80, v4, vm0, $0xb8;
	[tilespmem:$0x18400] =	vst v63  }
0x40c: {  	s28 =	simm.s32 $0x1C00  }
0x40d: {  	[tilespmem:s28], [sflag:$0x1] =	stream.indirect_vreg.gather [hbm4b:s4+s2], $0x80, v3, vm0, $0xb8;
	[tilespmem:$0x18400] =	vst v63  }
0x40e: {  	s29 =	simm.s32 $0x2400  }
0x40f: {  	[tilespmem:s29], [sflag:$0x1] =	stream.indirect_vreg.gather [hbm4b:s5+s2], $0x80, v3, vm0, $0xb8;
	[tilespmem:$0x18400] =	vst v63  }
0x410: {  	s30 =	simm.s32 $0x2C00  }
0x411: {  	[tilespmem:s30], [sflag:$0x1] =	stream.indirect_vreg.gather [hbm4b:s6+s2], $0x80, v3, vm0, $0xb8;
	[tilespmem:$0x18400] =	vst v63  }
0x412: {  	v3 =	vld [tilespmem:$0x310];
	_ =	sdelay $0x4  }
0x413: {  	v49 =	vshrl.u32 v3, $0x3  }
0x414: {  	v4 =	vmul.u32 $0x30, v49  }
0x415: {  	v3 =	vand.u32 $0x7, v3  }
0x416: {  	v3 =	vor.u32 v3, v4  }
0x417: {  	v4 =	vperm.xlane v3, v0;
	_ =	sdelay $0x1  }
0x418: {  	v4 =	vadd.s32 v1, v4;
	_ =	sdelay $0x3  }
0x419: {  	s31 =	simm.s32 $0x3400;
	v3 =	vperm.xlane v3, v2  }
0x41a: {  	[tilespmem:s31], [sflag:$0x1] =	stream.indirect_vreg.gather [hbm4b:s4+s2], $0x80, v4, vm0, $0xb8;
	[tilespmem:$0x18400] =	vst v63  }
0x41b: {  	s13 =	simm.s32 $0x3C00;
	v3 =	vadd.s32 v1, v3  }
0x41c: {  	[tilespmem:s13], [sflag:$0x1] =	stream.indirect_vreg.gather [hbm4b:s5+s2], $0x80, v4, vm0, $0xb8;
	[tilespmem:$0x18400] =	vst v63  }
0x41d: {  	s14 =	simm.s32 $0x4400  }
0x41e: {  	[tilespmem:s14], [sflag:$0x1] =	stream.indirect_vreg.gather [hbm4b:s6+s2], $0x80, v4, vm0, $0xb8;
	[tilespmem:$0x18400] =	vst v63  }
0x41f: {  	s15 =	simm.s32 $0x4C00  }
0x420: {  	[tilespmem:s15], [sflag:$0x1] =	stream.indirect_vreg.gather [hbm4b:s4+s2], $0x80, v3, vm0, $0xb8;
	[tilespmem:$0x18400] =	vst v63  }
0x421: {  	s16 =	simm.s32 $0x5400  }
0x422: {  	[tilespmem:s16], [sflag:$0x1] =	stream.indirect_vreg.gather [hbm4b:s5+s2], $0x80, v3, vm0, $0xb8;
	[tilespmem:$0x18400] =	vst v63  }
0x423: {  	s17 =	simm.s32 $0x5C00  }
0x424: {  	[tilespmem:s17], [sflag:$0x1] =	stream.indirect_vreg.gather [hbm4b:s6+s2], $0x80, v3, vm0, $0xb8;
	[tilespmem:$0x18400] =	vst v63  }
0x425: {  	v3 =	vld [tilespmem:$0x320];
	_ =	sdelay $0x4  }
0x426: {  	v50 =	vshrl.u32 v3, $0x3  }
0x427: {  	v4 =	vmul.u32 $0x30, v50  }
0x428: {  	v3 =	vand.u32 $0x7, v3  }
0x429: {  	v3 =	vor.u32 v3, v4  }
0x42a: {  	v4 =	vperm.xlane v3, v0;
	_ =	sdelay $0x1  }
0x42b: {  	v4 =	vadd.s32 v1, v4;
	_ =	sdelay $0x3  }
0x42c: {  	s18 =	simm.s32 $0x6400;
	v3 =	vperm.xlane v3, v2  }
0x42d: {  	[tilespmem:s18], [sflag:$0x1] =	stream.indirect_vreg.gather [hbm4b:s4+s2], $0x80, v4, vm0, $0xb8;
	[tilespmem:$0x18400] =	vst v63  }
0x42e: {  	s19 =	simm.s32 $0x6C00;
	v3 =	vadd.s32 v1, v3  }
0x42f: {  	[tilespmem:s19], [sflag:$0x1] =	stream.indirect_vreg.gather [hbm4b:s5+s2], $0x80, v4, vm0, $0xb8;
	[tilespmem:$0x18400] =	vst v63  }
0x430: {  	s20 =	simm.s32 $0x7400  }
0x431: {  	[tilespmem:s20], [sflag:$0x1] =	stream.indirect_vreg.gather [hbm4b:s6+s2], $0x80, v4, vm0, $0xb8;
	[tilespmem:$0x18400] =	vst v63  }
0x432: {  	s21 =	simm.s32 $0x7C00  }
0x433: {  	[tilespmem:s21], [sflag:$0x1] =	stream.indirect_vreg.gather [hbm4b:s4+s2], $0x80, v3, vm0, $0xb8;
	[tilespmem:$0x18400] =	vst v63  }
0x434: {  	s22 =	simm.s32 $0x8400  }
0x435: {  	[tilespmem:s22], [sflag:$0x1] =	stream.indirect_vreg.gather [hbm4b:s5+s2], $0x80, v3, vm0, $0xb8;
	[tilespmem:$0x18400] =	vst v63  }
0x436: {  	s23 =	simm.s32 $0x8C00  }
0x437: {  	[tilespmem:s23], [sflag:$0x1] =	stream.indirect_vreg.gather [hbm4b:s6+s2], $0x80, v3, vm0, $0xb8;
	[tilespmem:$0x18400] =	vst v63  }
0x438: {  	v3 =	vld [tilespmem:$0x330];
	_ =	sdelay $0x4  }
0x439: {  	v51 =	vshrl.u32 v3, $0x3  }
0x43a: {  	v4 =	vmul.u32 $0x30, v51  }
0x43b: {  	v3 =	vand.u32 $0x7, v3  }
0x43c: {  	v3 =	vor.u32 v3, v4  }
0x43d: {  	v4 =	vperm.xlane v3, v0;
	_ =	sdelay $0x1  }
0x43e: {  	v4 =	vadd.s32 v1, v4;
	_ =	sdelay $0x3  }
0x43f: {  	s24 =	simm.s32 $0x9400;
	v3 =	vperm.xlane v3, v2  }
0x440: {  	[tilespmem:s24], [sflag:$0x1] =	stream.indirect_vreg.gather [hbm4b:s4+s2], $0x80, v4, vm0, $0xb8;
	[tilespmem:$0x18400] =	vst v63  }
0x441: {  	s25 =	simm.s32 $0x9C00;
	v3 =	vadd.s32 v1, v3  }
0x442: {  	[tilespmem:s25], [sflag:$0x1] =	stream.indirect_vreg.gather [hbm4b:s5+s2], $0x80, v4, vm0, $0xb8;
	[tilespmem:$0x18400] =	vst v63  }
0x443: {  	s26 =	simm.s32 $0xA400  }
0x444: {  	[tilespmem:s26], [sflag:$0x1] =	stream.indirect_vreg.gather [hbm4b:s6+s2], $0x80, v4, vm0, $0xb8;
	[tilespmem:$0x18400] =	vst v63  }
0x445: {  	s28 =	simm.s32 $0xAC00  }
0x446: {  	[tilespmem:s28], [sflag:$0x1] =	stream.indirect_vreg.gather [hbm4b:s4+s2], $0x80, v3, vm0, $0xb8;
	[tilespmem:$0x18400] =	vst v63  }
0x447: {  	s29 =	simm.s32 $0xB400  }
0x448: {  	[tilespmem:s29], [sflag:$0x1] =	stream.indirect_vreg.gather [hbm4b:s5+s2], $0x80, v3, vm0, $0xb8;
	[tilespmem:$0x18400] =	vst v63  }
0x449: {  	s30 =	simm.s32 $0xBC00  }
0x44a: {  	[tilespmem:s30], [sflag:$0x1] =	stream.indirect_vreg.gather [hbm4b:s6+s2], $0x80, v3, vm0, $0xb8;
	[tilespmem:$0x18400] =	vst v63  }
0x44b: {  	_ =	swait.ge [sflag:s3], $0xC000  }
0x44c: {  	[sflag:s3] =	ssyncset.done $0x0  }
0x44d: {  	s31 =	rddreg [dreg:$0xf];
	[sflag:s3] =	ssyncadd.s32 $0xFFFF4000  }
0x44e: {  	[hbm4b:s31+s2] =	stream.linear.scatter [tilespmem:s12], [sflag:$0x2], $0xC000, $0x38;
	[tilespmem:$0x18400] =	vst v63  }
0x44f: {  	_ =	swait.ge [sflag:s10], $0xC000  }
0x450: {  	[sflag:s10] =	ssyncset.done $0x0  }
0x451: {  	[sflag:s10] =	ssyncadd.s32 $0xFFFF4000  }
0x452: {  	v3 =	vld [tilespmem:$0x340];
	_ =	sdelay $0x4  }
0x453: {  	v52 =	vshrl.u32 v3, $0x3  }
0x454: {  	v4 =	vmul.u32 $0x30, v52  }
0x455: {  	v3 =	vand.u32 $0x7, v3  }
0x456: {  	v3 =	vor.u32 v3, v4  }
0x457: {  	v4 =	vperm.xlane v3, v0;
	_ =	sdelay $0x1  }
0x458: {  	v4 =	vadd.s32 v1, v4;
	_ =	sdelay $0x3  }
0x459: {  	v3 =	vperm.xlane v3, v2  }
0x45a: {  	[tilespmem:s8], [sflag:$0x1] =	stream.indirect_vreg.gather [hbm4b:s4+s2], $0x80, v4, vm0, $0xb8;
	[tilespmem:$0x18400] =	vst v63  }
0x45b: {  	s25 =	simm.s32 $0xCC00;
	v3 =	vadd.s32 v1, v3  }
0x45c: {  	[tilespmem:s25], [sflag:$0x1] =	stream.indirect_vreg.gather [hbm4b:s5+s2], $0x80, v4, vm0, $0xb8;
	[tilespmem:$0x18400] =	vst v63  }
0x45d: {  	s26 =	simm.s32 $0xD400  }
0x45e: {  	[tilespmem:s26], [sflag:$0x1] =	stream.indirect_vreg.gather [hbm4b:s6+s2], $0x80, v4, vm0, $0xb8;
	[tilespmem:$0x18400] =	vst v63  }
0x45f: {  	s28 =	simm.s32 $0xDC00  }
0x460: {  	[tilespmem:s28], [sflag:$0x1] =	stream.indirect_vreg.gather [hbm4b:s4+s2], $0x80, v3, vm0, $0xb8;
	[tilespmem:$0x18400] =	vst v63  }
0x461: {  	s29 =	simm.s32 $0xE400  }
0x462: {  	[tilespmem:s29], [sflag:$0x1] =	stream.indirect_vreg.gather [hbm4b:s5+s2], $0x80, v3, vm0, $0xb8;
	[tilespmem:$0x18400] =	vst v63  }
0x463: {  	s30 =	simm.s32 $0xEC00  }
0x464: {  	[tilespmem:s30], [sflag:$0x1] =	stream.indirect_vreg.gather [hbm4b:s6+s2], $0x80, v3, vm0, $0xb8;
	[tilespmem:$0x18400] =	vst v63  }
0x465: {  	v3 =	vld [tilespmem:$0x350];
	_ =	sdelay $0x4  }
0x466: {  	v53 =	vshrl.u32 v3, $0x3  }
0x467: {  	v4 =	vmul.u32 $0x30, v53  }
0x468: {  	v3 =	vand.u32 $0x7, v3  }
0x469: {  	v3 =	vor.u32 v3, v4  }
0x46a: {  	v4 =	vperm.xlane v3, v0;
	_ =	sdelay $0x1  }
0x46b: {  	v4 =	vadd.s32 v1, v4;
	_ =	sdelay $0x3  }
0x46c: {  	s31 =	simm.s32 $0xF400;
	v3 =	vperm.xlane v3, v2  }
0x46d: {  	[tilespmem:s31], [sflag:$0x1] =	stream.indirect_vreg.gather [hbm4b:s4+s2], $0x80, v4, vm0, $0xb8;
	[tilespmem:$0x18400] =	vst v63  }
0x46e: {  	s30 =	simm.s32 $0xFC00;
	v3 =	vadd.s32 v1, v3  }
0x46f: {  	[tilespmem:s30], [sflag:$0x1] =	stream.indirect_vreg.gather [hbm4b:s5+s2], $0x80, v4, vm0, $0xb8;
	[tilespmem:$0x18400] =	vst v63  }
0x470: {  	s31 =	simm.s32 $0x10400  }
0x471: {  	[tilespmem:s31], [sflag:$0x1] =	stream.indirect_vreg.gather [hbm4b:s6+s2], $0x80, v4, vm0, $0xb8;
	[tilespmem:$0x18400] =	vst v63  }
0x472: {  	s11 =	simm.s32 $0x10C00  }
0x473: {  	[tilespmem:s11], [sflag:$0x1] =	stream.indirect_vreg.gather [hbm4b:s4+s2], $0x80, v3, vm0, $0xb8;
	[tilespmem:$0x18400] =	vst v63  }
0x474: {  	s11 =	simm.s32 $0x11400  }
0x475: {  	[tilespmem:s11], [sflag:$0x1] =	stream.indirect_vreg.gather [hbm4b:s5+s2], $0x80, v3, vm0, $0xb8;
	[tilespmem:$0x18400] =	vst v63  }
0x476: {  	s11 =	simm.s32 $0x11C00  }
0x477: {  	[tilespmem:s11], [sflag:$0x1] =	stream.indirect_vreg.gather [hbm4b:s6+s2], $0x80, v3, vm0, $0xb8;
	[tilespmem:$0x18400] =	vst v63  }
0x478: {  	v3 =	vld [tilespmem:$0x360];
	_ =	sdelay $0x4  }
0x479: {  	v54 =	vshrl.u32 v3, $0x3  }
0x47a: {  	v4 =	vmul.u32 $0x30, v54  }
0x47b: {  	v3 =	vand.u32 $0x7, v3  }
0x47c: {  	v3 =	vor.u32 v3, v4  }
0x47d: {  	v4 =	vperm.xlane v3, v0;
	_ =	sdelay $0x1  }
0x47e: {  	v4 =	vadd.s32 v1, v4;
	_ =	sdelay $0x3  }
0x47f: {  	s11 =	simm.s32 $0x12400;
	v3 =	vperm.xlane v3, v2  }
0x480: {  	[tilespmem:s11], [sflag:$0x1] =	stream.indirect_vreg.gather [hbm4b:s4+s2], $0x80, v4, vm0, $0xb8;
	[tilespmem:$0x18400] =	vst v63  }
0x481: {  	v3 =	vadd.s32 v1, v3;
	s11 =	simm.s32 $0x12C00  }
0x482: {  	[tilespmem:s11], [sflag:$0x1] =	stream.indirect_vreg.gather [hbm4b:s5+s2], $0x80, v4, vm0, $0xb8;
	[tilespmem:$0x18400] =	vst v63  }
0x483: {  	s11 =	simm.s32 $0x13400  }
0x484: {  	[tilespmem:s11], [sflag:$0x1] =	stream.indirect_vreg.gather [hbm4b:s6+s2], $0x80, v4, vm0, $0xb8;
	[tilespmem:$0x18400] =	vst v63  }
0x485: {  	s11 =	simm.s32 $0x13C00  }
0x486: {  	[tilespmem:s11], [sflag:$0x1] =	stream.indirect_vreg.gather [hbm4b:s4+s2], $0x80, v3, vm0, $0xb8;
	[tilespmem:$0x18400] =	vst v63  }
0x487: {  	s11 =	simm.s32 $0x14400  }
0x488: {  	[tilespmem:s11], [sflag:$0x1] =	stream.indirect_vreg.gather [hbm4b:s5+s2], $0x80, v3, vm0, $0xb8;
	[tilespmem:$0x18400] =	vst v63  }
0x489: {  	s11 =	simm.s32 $0x14C00  }
0x48a: {  	[tilespmem:s11], [sflag:$0x1] =	stream.indirect_vreg.gather [hbm4b:s6+s2], $0x80, v3, vm0, $0xb8;
	[tilespmem:$0x18400] =	vst v63  }
0x48b: {  	v3 =	vld [tilespmem:$0x370];
	_ =	sdelay $0x4  }
0x48c: {  	v55 =	vshrl.u32 v3, $0x3  }
0x48d: {  	v4 =	vmul.u32 $0x30, v55  }
0x48e: {  	v3 =	vand.u32 $0x7, v3  }
0x48f: {  	v3 =	vor.u32 v3, v4  }
0x490: {  	v4 =	vperm.xlane v3, v0;
	_ =	sdelay $0x1  }
0x491: {  	v4 =	vadd.s32 v1, v4;
	_ =	sdelay $0x3  }
0x492: {  	s11 =	simm.s32 $0x15400;
	v3 =	vperm.xlane v3, v2  }
0x493: {  	[tilespmem:s11], [sflag:$0x1] =	stream.indirect_vreg.gather [hbm4b:s4+s2], $0x80, v4, vm0, $0xb8;
	[tilespmem:$0x18400] =	vst v63  }
0x494: {  	v3 =	vadd.s32 v1, v3;
	s11 =	simm.s32 $0x15C00  }
0x495: {  	[tilespmem:s11], [sflag:$0x1] =	stream.indirect_vreg.gather [hbm4b:s5+s2], $0x80, v4, vm0, $0xb8;
	[tilespmem:$0x18400] =	vst v63  }
0x496: {  	s11 =	simm.s32 $0x16400  }
0x497: {  	[tilespmem:s11], [sflag:$0x1] =	stream.indirect_vreg.gather [hbm4b:s6+s2], $0x80, v4, vm0, $0xb8;
	[tilespmem:$0x18400] =	vst v63  }
0x498: {  	s11 =	simm.s32 $0x16C00  }
0x499: {  	[tilespmem:s11], [sflag:$0x1] =	stream.indirect_vreg.gather [hbm4b:s4+s2], $0x80, v3, vm0, $0xb8;
	[tilespmem:$0x18400] =	vst v63  }
0x49a: {  	s11 =	simm.s32 $0x17400  }
0x49b: {  	[tilespmem:s11], [sflag:$0x1] =	stream.indirect_vreg.gather [hbm4b:s5+s2], $0x80, v3, vm0, $0xb8;
	[tilespmem:$0x18400] =	vst v63  }
0x49c: {  	s11 =	simm.s32 $0x17C00  }
0x49d: {  	[tilespmem:s11], [sflag:$0x1] =	stream.indirect_vreg.gather [hbm4b:s6+s2], $0x80, v3, vm0, $0xb8;
	[tilespmem:$0x18400] =	vst v63  }
0x49e: {  	_ =	swait.ge [sflag:s3], $0xC000  }
0x49f: {  	[sflag:s3] =	ssyncset.done $0x0  }
0x4a0: {  	s11 =	rddreg [dreg:$0x10];
	[sflag:s3] =	ssyncadd.s32 $0xFFFF4000  }
0x4a1: {  	[hbm4b:s11+s2] =	stream.linear.scatter [tilespmem:s8], [sflag:$0x2], $0xC000, $0x38;
	[tilespmem:$0x18400] =	vst v63  }
0x4a2: {  	_ =	swait.ge [sflag:s10], $0xC000  }
0x4a3: {  	[sflag:s10] =	ssyncset.done $0x0  }
0x4a4: {  	[sflag:s10] =	ssyncadd.s32 $0xFFFF4000  }
0x4a5: {  	v3 =	vld [tilespmem:$0x380];
	_ =	sdelay $0x4  }
0x4a6: {  	v56 =	vshrl.u32 v3, $0x3  }
0x4a7: {  	v4 =	vmul.u32 $0x30, v56  }
0x4a8: {  	v3 =	vand.u32 $0x7, v3  }
0x4a9: {  	v3 =	vor.u32 v3, v4  }
0x4aa: {  	v4 =	vperm.xlane v3, v0;
	_ =	sdelay $0x1  }
0x4ab: {  	v4 =	vadd.s32 v1, v4;
	_ =	sdelay $0x3  }
0x4ac: {  	v3 =	vperm.xlane v3, v2  }
0x4ad: {  	[tilespmem:s12], [sflag:$0x1] =	stream.indirect_vreg.gather [hbm4b:s4+s2], $0x80, v4, vm0, $0xb8;
	[tilespmem:$0x18400] =	vst v63  }
0x4ae: {  	s0 =	simm.s32 $0xC00;
	v3 =	vadd.s32 v1, v3  }
0x4af: {  	[tilespmem:s0], [sflag:$0x1] =	stream.indirect_vreg.gather [hbm4b:s5+s2], $0x80, v4, vm0, $0xb8;
	[tilespmem:$0x18400] =	vst v63  }
0x4b0: {  	s1 =	simm.s32 $0x1400  }
0x4b1: {  	[tilespmem:s1], [sflag:$0x1] =	stream.indirect_vreg.gather [hbm4b:s6+s2], $0x80, v4, vm0, $0xb8;
	[tilespmem:$0x18400] =	vst v63  }
0x4b2: {  	s7 =	simm.s32 $0x1C00  }
0x4b3: {  	[tilespmem:s7], [sflag:$0x1] =	stream.indirect_vreg.gather [hbm4b:s4+s2], $0x80, v3, vm0, $0xb8;
	[tilespmem:$0x18400] =	vst v63  }
0x4b4: {  	s9 =	simm.s32 $0x2400  }
0x4b5: {  	[tilespmem:s9], [sflag:$0x1] =	stream.indirect_vreg.gather [hbm4b:s5+s2], $0x80, v3, vm0, $0xb8;
	[tilespmem:$0x18400] =	vst v63  }
0x4b6: {  	s9 =	simm.s32 $0x2C00  }
0x4b7: {  	[tilespmem:s9], [sflag:$0x1] =	stream.indirect_vreg.gather [hbm4b:s6+s2], $0x80, v3, vm0, $0xb8;
	[tilespmem:$0x18400] =	vst v63  }
0x4b8: {  	v3 =	vld [tilespmem:$0x390];
	_ =	sdelay $0x4  }
0x4b9: {  	v57 =	vshrl.u32 v3, $0x3  }
0x4ba: {  	v4 =	vmul.u32 $0x30, v57  }
0x4bb: {  	v3 =	vand.u32 $0x7, v3  }
0x4bc: {  	v3 =	vor.u32 v3, v4  }
0x4bd: {  	v4 =	vperm.xlane v3, v0;
	_ =	sdelay $0x1  }
0x4be: {  	v4 =	vadd.s32 v1, v4;
	_ =	sdelay $0x3  }
0x4bf: {  	s11 =	simm.s32 $0x3400;
	v3 =	vperm.xlane v3, v2  }
0x4c0: {  	[tilespmem:s11], [sflag:$0x1] =	stream.indirect_vreg.gather [hbm4b:s4+s2], $0x80, v4, vm0, $0xb8;
	[tilespmem:$0x18400] =	vst v63  }
0x4c1: {  	s13 =	simm.s32 $0x3C00;
	v3 =	vadd.s32 v1, v3  }
0x4c2: {  	[tilespmem:s13], [sflag:$0x1] =	stream.indirect_vreg.gather [hbm4b:s5+s2], $0x80, v4, vm0, $0xb8;
	[tilespmem:$0x18400] =	vst v63  }
0x4c3: {  	s14 =	simm.s32 $0x4400  }
0x4c4: {  	[tilespmem:s14], [sflag:$0x1] =	stream.indirect_vreg.gather [hbm4b:s6+s2], $0x80, v4, vm0, $0xb8;
	[tilespmem:$0x18400] =	vst v63  }
0x4c5: {  	s15 =	simm.s32 $0x4C00  }
0x4c6: {  	[tilespmem:s15], [sflag:$0x1] =	stream.indirect_vreg.gather [hbm4b:s4+s2], $0x80, v3, vm0, $0xb8;
	[tilespmem:$0x18400] =	vst v63  }
0x4c7: {  	s16 =	simm.s32 $0x5400  }
0x4c8: {  	[tilespmem:s16], [sflag:$0x1] =	stream.indirect_vreg.gather [hbm4b:s5+s2], $0x80, v3, vm0, $0xb8;
	[tilespmem:$0x18400] =	vst v63  }
0x4c9: {  	s15 =	simm.s32 $0x5C00  }
0x4ca: {  	[tilespmem:s15], [sflag:$0x1] =	stream.indirect_vreg.gather [hbm4b:s6+s2], $0x80, v3, vm0, $0xb8;
	[tilespmem:$0x18400] =	vst v63  }
0x4cb: {  	v3 =	vld [tilespmem:$0x3A0];
	_ =	sdelay $0x4  }
0x4cc: {  	v58 =	vshrl.u32 v3, $0x3  }
0x4cd: {  	v4 =	vmul.u32 $0x30, v58  }
0x4ce: {  	v3 =	vand.u32 $0x7, v3  }
0x4cf: {  	v3 =	vor.u32 v3, v4  }
0x4d0: {  	v4 =	vperm.xlane v3, v0;
	_ =	sdelay $0x1  }
0x4d1: {  	v4 =	vadd.s32 v1, v4;
	_ =	sdelay $0x3  }
0x4d2: {  	s16 =	simm.s32 $0x6400;
	v3 =	vperm.xlane v3, v2  }
0x4d3: {  	[tilespmem:s16], [sflag:$0x1] =	stream.indirect_vreg.gather [hbm4b:s4+s2], $0x80, v4, vm0, $0xb8;
	[tilespmem:$0x18400] =	vst v63  }
0x4d4: {  	s17 =	simm.s32 $0x6C00;
	v3 =	vadd.s32 v1, v3  }
0x4d5: {  	[tilespmem:s17], [sflag:$0x1] =	stream.indirect_vreg.gather [hbm4b:s5+s2], $0x80, v4, vm0, $0xb8;
	[tilespmem:$0x18400] =	vst v63  }
0x4d6: {  	s18 =	simm.s32 $0x7400  }
0x4d7: {  	[tilespmem:s18], [sflag:$0x1] =	stream.indirect_vreg.gather [hbm4b:s6+s2], $0x80, v4, vm0, $0xb8;
	[tilespmem:$0x18400] =	vst v63  }
0x4d8: {  	s19 =	simm.s32 $0x7C00  }
0x4d9: {  	[tilespmem:s19], [sflag:$0x1] =	stream.indirect_vreg.gather [hbm4b:s4+s2], $0x80, v3, vm0, $0xb8;
	[tilespmem:$0x18400] =	vst v63  }
0x4da: {  	s20 =	simm.s32 $0x8400  }
0x4db: {  	[tilespmem:s20], [sflag:$0x1] =	stream.indirect_vreg.gather [hbm4b:s5+s2], $0x80, v3, vm0, $0xb8;
	[tilespmem:$0x18400] =	vst v63  }
0x4dc: {  	s19 =	simm.s32 $0x8C00  }
0x4dd: {  	[tilespmem:s19], [sflag:$0x1] =	stream.indirect_vreg.gather [hbm4b:s6+s2], $0x80, v3, vm0, $0xb8;
	[tilespmem:$0x18400] =	vst v63  }
0x4de: {  	v3 =	vld [tilespmem:$0x3B0];
	_ =	sdelay $0x4  }
0x4df: {  	v59 =	vshrl.u32 v3, $0x3  }
0x4e0: {  	v4 =	vmul.u32 $0x30, v59  }
0x4e1: {  	v3 =	vand.u32 $0x7, v3  }
0x4e2: {  	v3 =	vor.u32 v3, v4  }
0x4e3: {  	v4 =	vperm.xlane v3, v0;
	_ =	sdelay $0x1  }
0x4e4: {  	v4 =	vadd.s32 v1, v4;
	_ =	sdelay $0x3  }
0x4e5: {  	s20 =	simm.s32 $0x9400;
	v3 =	vperm.xlane v3, v2  }
0x4e6: {  	[tilespmem:s20], [sflag:$0x1] =	stream.indirect_vreg.gather [hbm4b:s4+s2], $0x80, v4, vm0, $0xb8;
	[tilespmem:$0x18400] =	vst v63  }
0x4e7: {  	s21 =	simm.s32 $0x9C00;
	v3 =	vadd.s32 v1, v3  }
0x4e8: {  	[tilespmem:s21], [sflag:$0x1] =	stream.indirect_vreg.gather [hbm4b:s5+s2], $0x80, v4, vm0, $0xb8;
	[tilespmem:$0x18400] =	vst v63  }
0x4e9: {  	s22 =	simm.s32 $0xA400  }
0x4ea: {  	[tilespmem:s22], [sflag:$0x1] =	stream.indirect_vreg.gather [hbm4b:s6+s2], $0x80, v4, vm0, $0xb8;
	[tilespmem:$0x18400] =	vst v63  }
0x4eb: {  	s23 =	simm.s32 $0xAC00  }
0x4ec: {  	[tilespmem:s23], [sflag:$0x1] =	stream.indirect_vreg.gather [hbm4b:s4+s2], $0x80, v3, vm0, $0xb8;
	[tilespmem:$0x18400] =	vst v63  }
0x4ed: {  	s24 =	simm.s32 $0xB400  }
0x4ee: {  	[tilespmem:s24], [sflag:$0x1] =	stream.indirect_vreg.gather [hbm4b:s5+s2], $0x80, v3, vm0, $0xb8;
	[tilespmem:$0x18400] =	vst v63  }
0x4ef: {  	s1 =	simm.s32 $0xBC00  }
0x4f0: {  	[tilespmem:s1], [sflag:$0x1] =	stream.indirect_vreg.gather [hbm4b:s6+s2], $0x80, v3, vm0, $0xb8;
	[tilespmem:$0x18400] =	vst v63  }
0x4f1: {  	_ =	swait.ge [sflag:s3], $0xC000  }
0x4f2: {  	[sflag:s3] =	ssyncset.done $0x0  }
0x4f3: {  	s7 =	rddreg [dreg:$0x11];
	[sflag:s3] =	ssyncadd.s32 $0xFFFF4000  }
0x4f4: {  	[hbm4b:s7+s2] =	stream.linear.scatter [tilespmem:s12], [sflag:$0x2], $0xC000, $0x38;
	[tilespmem:$0x18400] =	vst v63  }
0x4f5: {  	_ =	swait.ge [sflag:s10], $0xC000  }
0x4f6: {  	[sflag:s10] =	ssyncset.done $0x0  }
0x4f7: {  	[sflag:s10] =	ssyncadd.s32 $0xFFFF4000  }
0x4f8: {  	v3 =	vld [tilespmem:$0x3C0];
	_ =	sdelay $0x4  }
0x4f9: {  	v60 =	vshrl.u32 v3, $0x3  }
0x4fa: {  	v4 =	vmul.u32 $0x30, v60  }
0x4fb: {  	v3 =	vand.u32 $0x7, v3  }
0x4fc: {  	v3 =	vor.u32 v3, v4  }
0x4fd: {  	v4 =	vperm.xlane v3, v0;
	_ =	sdelay $0x1  }
0x4fe: {  	v4 =	vadd.s32 v1, v4;
	_ =	sdelay $0x3  }
0x4ff: {  	v3 =	vperm.xlane v3, v2  }
0x500: {  	[tilespmem:s8], [sflag:$0x1] =	stream.indirect_vreg.gather [hbm4b:s4+s2], $0x80, v4, vm0, $0xb8;
	[tilespmem:$0x18400] =	vst v63  }
0x501: {  	s25 =	simm.s32 $0xCC00;
	v3 =	vadd.s32 v1, v3  }
0x502: {  	[tilespmem:s25], [sflag:$0x1] =	stream.indirect_vreg.gather [hbm4b:s5+s2], $0x80, v4, vm0, $0xb8;
	[tilespmem:$0x18400] =	vst v63  }
0x503: {  	s26 =	simm.s32 $0xD400  }
0x504: {  	[tilespmem:s26], [sflag:$0x1] =	stream.indirect_vreg.gather [hbm4b:s6+s2], $0x80, v4, vm0, $0xb8;
	[tilespmem:$0x18400] =	vst v63  }
0x505: {  	s28 =	simm.s32 $0xDC00  }
0x506: {  	[tilespmem:s28], [sflag:$0x1] =	stream.indirect_vreg.gather [hbm4b:s4+s2], $0x80, v3, vm0, $0xb8;
	[tilespmem:$0x18400] =	vst v63  }
0x507: {  	s29 =	simm.s32 $0xE400  }
0x508: {  	[tilespmem:s29], [sflag:$0x1] =	stream.indirect_vreg.gather [hbm4b:s5+s2], $0x80, v3, vm0, $0xb8;
	[tilespmem:$0x18400] =	vst v63  }
0x509: {  	s13 =	simm.s32 $0xEC00  }
0x50a: {  	[tilespmem:s13], [sflag:$0x1] =	stream.indirect_vreg.gather [hbm4b:s6+s2], $0x80, v3, vm0, $0xb8;
	[tilespmem:$0x18400] =	vst v63  }
0x50b: {  	v3 =	vld [tilespmem:$0x3D0];
	_ =	sdelay $0x4  }
0x50c: {  	v61 =	vshrl.u32 v3, $0x3  }
0x50d: {  	v4 =	vmul.u32 $0x30, v61  }
0x50e: {  	v3 =	vand.u32 $0x7, v3  }
0x50f: {  	v3 =	vor.u32 v3, v4  }
0x510: {  	v4 =	vperm.xlane v3, v0;
	_ =	sdelay $0x1  }
0x511: {  	v4 =	vadd.s32 v1, v4;
	_ =	sdelay $0x3  }
0x512: {  	s14 =	simm.s32 $0xF400;
	v3 =	vperm.xlane v3, v2  }
0x513: {  	[tilespmem:s14], [sflag:$0x1] =	stream.indirect_vreg.gather [hbm4b:s4+s2], $0x80, v4, vm0, $0xb8;
	[tilespmem:$0x18400] =	vst v63  }
0x514: {  	s30 =	simm.s32 $0xFC00;
	v3 =	vadd.s32 v1, v3  }
0x515: {  	[tilespmem:s30], [sflag:$0x1] =	stream.indirect_vreg.gather [hbm4b:s5+s2], $0x80, v4, vm0, $0xb8;
	[tilespmem:$0x18400] =	vst v63  }
0x516: {  	s31 =	simm.s32 $0x10400  }
0x517: {  	[tilespmem:s31], [sflag:$0x1] =	stream.indirect_vreg.gather [hbm4b:s6+s2], $0x80, v4, vm0, $0xb8;
	[tilespmem:$0x18400] =	vst v63  }
0x518: {  	s15 =	simm.s32 $0x10C00  }
0x519: {  	[tilespmem:s15], [sflag:$0x1] =	stream.indirect_vreg.gather [hbm4b:s4+s2], $0x80, v3, vm0, $0xb8;
	[tilespmem:$0x18400] =	vst v63  }
0x51a: {  	s16 =	simm.s32 $0x11400  }
0x51b: {  	[tilespmem:s16], [sflag:$0x1] =	stream.indirect_vreg.gather [hbm4b:s5+s2], $0x80, v3, vm0, $0xb8;
	[tilespmem:$0x18400] =	vst v63  }
0x51c: {  	s17 =	simm.s32 $0x11C00  }
0x51d: {  	[tilespmem:s17], [sflag:$0x1] =	stream.indirect_vreg.gather [hbm4b:s6+s2], $0x80, v3, vm0, $0xb8;
	[tilespmem:$0x18400] =	vst v63  }
0x51e: {  	v3 =	vld [tilespmem:$0x3E0];
	_ =	sdelay $0x4  }
0x51f: {  	v62 =	vshrl.u32 v3, $0x3  }
0x520: {  	v4 =	vmul.u32 $0x30, v62  }
0x521: {  	v3 =	vand.u32 $0x7, v3  }
0x522: {  	v3 =	vor.u32 v3, v4  }
0x523: {  	v4 =	vperm.xlane v3, v0;
	_ =	sdelay $0x1  }
0x524: {  	v4 =	vadd.s32 v1, v4;
	_ =	sdelay $0x3  }
0x525: {  	s18 =	simm.s32 $0x12400;
	v3 =	vperm.xlane v3, v2  }
0x526: {  	[tilespmem:s18], [sflag:$0x1] =	stream.indirect_vreg.gather [hbm4b:s4+s2], $0x80, v4, vm0, $0xb8;
	[tilespmem:$0x18400] =	vst v63  }
0x527: {  	s19 =	simm.s32 $0x12C00;
	v3 =	vadd.s32 v1, v3  }
0x528: {  	[tilespmem:s19], [sflag:$0x1] =	stream.indirect_vreg.gather [hbm4b:s5+s2], $0x80, v4, vm0, $0xb8;
	[tilespmem:$0x18400] =	vst v63  }
0x529: {  	s20 =	simm.s32 $0x13400  }
0x52a: {  	[tilespmem:s20], [sflag:$0x1] =	stream.indirect_vreg.gather [hbm4b:s6+s2], $0x80, v4, vm0, $0xb8;
	[tilespmem:$0x18400] =	vst v63  }
0x52b: {  	s21 =	simm.s32 $0x13C00  }
0x52c: {  	[tilespmem:s21], [sflag:$0x1] =	stream.indirect_vreg.gather [hbm4b:s4+s2], $0x80, v3, vm0, $0xb8;
	[tilespmem:$0x18400] =	vst v63  }
0x52d: {  	s22 =	simm.s32 $0x14400  }
0x52e: {  	[tilespmem:s22], [sflag:$0x1] =	stream.indirect_vreg.gather [hbm4b:s5+s2], $0x80, v3, vm0, $0xb8;
	[tilespmem:$0x18400] =	vst v63  }
0x52f: {  	s23 =	simm.s32 $0x14C00  }
0x530: {  	[tilespmem:s23], [sflag:$0x1] =	stream.indirect_vreg.gather [hbm4b:s6+s2], $0x80, v3, vm0, $0xb8;
	[tilespmem:$0x18400] =	vst v63  }
0x531: {  	v3 =	vld [tilespmem:$0x3F0];
	_ =	sdelay $0x4  }
0x532: {  	v63 =	vshrl.u32 v3, $0x3  }
0x533: {  	v4 =	vmul.u32 $0x30, v63  }
0x534: {  	v3 =	vand.u32 $0x7, v3  }
0x535: {  	v3 =	vor.u32 v3, v4  }
0x536: {  	v4 =	vperm.xlane v3, v0;
	_ =	sdelay $0x1  }
0x537: {  	v4 =	vadd.s32 v1, v4;
	_ =	sdelay $0x3  }
0x538: {  	s24 =	simm.s32 $0x15400;
	v3 =	vperm.xlane v3, v2  }
0x539: {  	[tilespmem:s24], [sflag:$0x1] =	stream.indirect_vreg.gather [hbm4b:s4+s2], $0x80, v4, vm0, $0xb8;
	[tilespmem:$0x18400] =	vst v63  }
0x53a: {  	s25 =	simm.s32 $0x15C00;
	v3 =	vadd.s32 v1, v3  }
0x53b: {  	[tilespmem:s25], [sflag:$0x1] =	stream.indirect_vreg.gather [hbm4b:s5+s2], $0x80, v4, vm0, $0xb8;
	[tilespmem:$0x18400] =	vst v63  }
0x53c: {  	s26 =	simm.s32 $0x16400  }
0x53d: {  	[tilespmem:s26], [sflag:$0x1] =	stream.indirect_vreg.gather [hbm4b:s6+s2], $0x80, v4, vm0, $0xb8;
	[tilespmem:$0x18400] =	vst v63  }
0x53e: {  	s28 =	simm.s32 $0x16C00  }
0x53f: {  	[tilespmem:s28], [sflag:$0x1] =	stream.indirect_vreg.gather [hbm4b:s4+s2], $0x80, v3, vm0, $0xb8;
	[tilespmem:$0x18400] =	vst v63  }
0x540: {  	s29 =	simm.s32 $0x17400  }
0x541: {  	[tilespmem:s29], [sflag:$0x1] =	stream.indirect_vreg.gather [hbm4b:s5+s2], $0x80, v3, vm0, $0xb8;
	[tilespmem:$0x18400] =	vst v63  }
0x542: {  	s30 =	simm.s32 $0x17C00  }
0x543: {  	[tilespmem:s30], [sflag:$0x1] =	stream.indirect_vreg.gather [hbm4b:s6+s2], $0x80, v3, vm0, $0xb8;
	[tilespmem:$0x18400] =	vst v63  }
0x544: {  	s9 =	rddreg [dreg:$0x14];
	_ =	swait.ge [sflag:s3], $0xC000  }
0x545: {  	[sflag:s3] =	ssyncset.done $0x0  }
0x546: {  	s31 =	rddreg [dreg:$0x12];
	[sflag:s3] =	ssyncadd.s32 $0xFFFF4000  }
0x547: {  	[hbm4b:s31+s2] =	stream.linear.scatter [tilespmem:s8], [sflag:$0x2], $0xC000, $0x38;
	[tilespmem:$0x18400] =	vst v63  }
0x548: {  	p0 =	sne.s32 s9, $0x1;
	_ =	swait.ge [sflag:s10], $0xC000  }
.Ltmp0:
0x549: {  	[sflag:s10] =	ssyncset.done $0x0;
	(pc) =	sbr.rel @p0 .LBB2_1-.Ltmp0, $4  }
0x54a: {  	[sflag:s10] =	ssyncadd.s32 $0xFFFF4000  }
0x54b: {  	_ =	swait.ge [sflag:s10], $0xC000  }
0x54c: {  	[sflag:s10] =	ssyncset.done $0x0  }
0x54d: {  	s0 =	sadd.s32 $0xFFFFFFFF, s9;
	[sflag:s10] =	ssyncadd.s32 $0xFFFF4000  }
0x54e: {  	_ =	sfence.sel $0x180000  }
0x54f: {  	[bflag:$0x0] =	sbarrier.arrive $0xFFFF  }
0x550: {  	_ =	strace $0x90000047  }
0x551: {  	s0 =	stileid.u32;
	[bflag:$0x2] =	sbarrier.arrive $0xFFFF  }
0x552: {  	p0 =	sne.s32 s0, $0x0;
	s0 =	rddreg [dreg:$0x2]  }
0x553: {  	s0 =	sadd.s32 @!p0 $0x100000, s0  }
0x554: {  	[sflag:s0] =	ssyncadd.tile.s32 @!p0 $0x1;
	_ =	shalt  }
.Lfunc_end2:
_tile_overlayer_lowered:
.L_overlay_start_2:
0x555: {  	(tag) =	ssettag $0x2  }
0x556: {  	s0 =	rddreg [dreg:$0x0];
	s2 =	stileid.u32  }
0x557: {  	s1 =	rddreg [dreg:$0x1];
	p0 =	sne.s32 s2, $0x0  }
0x558: {  	s3 =	rddreg [dreg:$0x2];
	[bflag:$0x3] =	sbarrier.arrive $0xFFFF;
	s2 =	simm.s32 @!p0 $0x1C03  }
0x559: {  	[timem:s3], [sflag:s2] =	dma.local @!p0 [hbm:s0], s1  }
0x55a: {  	s0 =	simm.s32 @!p0 $0x3  }
0x55b: {  	_ =	swait.ge @!p0 [sflag:s0], s1  }
0x55c: {  	s1 =	ssub.s32 @!p0 $0x0, s1;
	[sflag:s0] =	ssyncset.done @!p0 $0x0  }
0x55d: {  	[sflag:s0] =	ssyncadd.s32 @!p0 s1  }
0x55e: {  	[bflag:$0x3] =	sbarrier.arrive $0xFFFF  }
0x55f: {  	_ =	shalt  }

</sc_bundles>
